<compile_context>
chip_gen: v7x
topology: tpu7x:2x2x1
jax: 0.10.2.dev20260603
libtpu: 0.0.44.dev20260713+nightly
codegen_flags: <defaults>
</compile_context>

<pallas_src>
import functools

import jax
import jax.numpy as jnp
from jax import lax
from jax.experimental import pallas as pl
from jax.experimental.pallas import tpu as pltpu
from jax.experimental.pallas import tpu_sc as plsc

N = 10000
E = 320000
D = 128
H = 16
OUT = 40

NC, NS = 2, 16
NW = NC * NS
NPAD = 10240
CH = 80

EPW = E // NW
NCH = EPW // CH
RPS = NPAD // NS

_F32 = jnp.float32


@functools.lru_cache(maxsize=None)
def _mesh():
    return plsc.VectorSubcoreMesh(
        core_axis_name="c", subcore_axis_name="s",
        num_cores=NC, num_subcores=NS)


def _zero_f32(ref, nrows, width):
    zeros = jnp.zeros((16,), _F32)

    def body(i, _):
        for k in range(width // 16):
            ref[i, pl.ds(k * 16, 16)] = zeros
        return 0

    lax.fori_loop(0, nrows, body, 0)


def _newton_rsqrt_inplace(buf, n16):
    magic = jnp.full((16,), 0x5F3759DF, jnp.int32)

    def newt(i, _):
        d = buf[pl.ds(i * 16, 16)] + 1.0
        iy = magic - lax.shift_right_arithmetic(
            lax.bitcast_convert_type(d, jnp.int32),
            jnp.full((16,), 1, jnp.int32))
        y = lax.bitcast_convert_type(iy, _F32)
        for _ in range(3):
            y = y * (1.5 - 0.5 * d * y * y)
        buf[pl.ds(i * 16, 16)] = y
        return 0

    lax.fori_loop(0, n16, newt, 0)


NBUF = 8


def _edge_loop(table_sh, acc_sh, sbuf, dbuf, rows, gsem, ssem):

    def sidx(j):
        return sbuf.at[pl.ds(j * CH, CH)]

    def didx(j):
        return dbuf.at[pl.ds(j * CH, CH)]

    for j0 in range(NBUF - 1):
        pltpu.async_copy(table_sh.at[sidx(j0)], rows.at[j0], gsem)

    def chunk(j, _):
        b = j & (NBUF - 1)
        pltpu.make_async_copy(table_sh.at[sidx(j)], rows.at[b], gsem).wait()
        pltpu.async_copy(rows.at[b], acc_sh.at[didx(j)], ssem, add=True)

        @pl.when((j >= 1) & (j + NBUF - 1 < NCH))
        def _():
            pltpu.make_async_copy(
                rows.at[(j - 1) & (NBUF - 1)], acc_sh.at[didx(j - 1)],
                ssem).wait()

        @pl.when(j + NBUF - 1 < NCH)
        def _():
            pltpu.async_copy(
                table_sh.at[sidx(j + NBUF - 1)],
                rows.at[(j + NBUF - 1) & (NBUF - 1)], gsem)

        return 0

    lax.fori_loop(0, NCH, chunk, 0)
    for _ in range(NBUF):
        pltpu.make_async_copy(rows.at[0], acc_sh.at[didx(0)], ssem).wait()


def _sc_layer1_body(xw_hbm, ei_f, part, dinv_out,
                    y_sh, acc_sh, hist_sh, hbuf, sbuf, dbuf, rows, obuf,
                    dvbuf, ones_v, gsem, ssem):
    c = lax.axis_index("c")
    s = lax.axis_index("s")
    wid = s * NC + c
    zeros16 = jnp.zeros((16,), _F32)
    _zero_f32(obuf, RPS, H)
    pltpu.sync_copy(obuf, acc_sh.at[pl.ds(s * RPS, RPS)])

    def zh(i, _):
        dvbuf[pl.ds(i * 16, 16)] = zeros16
        return 0

    lax.fori_loop(0, RPS // 16, zh, 0)
    pltpu.sync_copy(dvbuf, hist_sh.at[pl.ds(s * RPS, RPS)])
    for k in range(CH // 16):
        ones_v[pl.ds(k * 16, 16)] = jnp.ones((16,), _F32)
    plsc.subcore_barrier()

    pltpu.sync_copy(ei_f.at[pl.ds(E + s * 2 * EPW, 2 * EPW)], hbuf)

    def hidx(j):
        return hbuf.at[pl.ds(j * CH, CH)]

    def hchunk(j, _):
        pltpu.async_copy(ones_v, hist_sh.at[hidx(j)], gsem, add=True)

        @pl.when(j >= 12)
        def _():
            pltpu.make_async_copy(ones_v, hist_sh.at[hidx(0)], gsem).wait()

        return 0

    lax.fori_loop(0, 2 * NCH, hchunk, 0)
    for _ in range(12):
        pltpu.make_async_copy(ones_v, hist_sh.at[hidx(0)], gsem).wait()
    plsc.subcore_barrier()

    pltpu.sync_copy(hist_sh.at[pl.ds(s * RPS, RPS)], dvbuf)
    _newton_rsqrt_inplace(dvbuf, RPS // 16)

    @pl.when(c == 0)
    def _():
        pltpu.sync_copy(dvbuf, dinv_out.at[pl.ds(s * RPS, RPS)])

    pltpu.sync_copy(xw_hbm.at[pl.ds(s * RPS, RPS)], obuf)

    def scale(i, _):
        d16 = plsc.load_gather(dvbuf, [jnp.full((16,), i, jnp.int32)])
        obuf[i, :] = obuf[i, :] * d16
        return 0

    lax.fori_loop(0, RPS, scale, 0)
    pltpu.sync_copy(obuf, y_sh.at[pl.ds(s * RPS, RPS)])
    plsc.subcore_barrier()

    pltpu.sync_copy(ei_f.at[pl.ds(wid * EPW, EPW)], sbuf)
    pltpu.sync_copy(ei_f.at[pl.ds(E + wid * EPW, EPW)], dbuf)
    _edge_loop(y_sh, acc_sh, sbuf, dbuf, rows, gsem, ssem)
    plsc.subcore_barrier()

    pltpu.sync_copy(acc_sh.at[pl.ds(s * RPS, RPS)], obuf)
    pltpu.sync_copy(obuf, part.at[c, pl.ds(s * RPS, RPS)])


@functools.lru_cache(maxsize=None)
def _get_layer1():
    return pl.kernel(
        _sc_layer1_body,
        out_type=(jax.ShapeDtypeStruct((NC, NPAD, H), _F32),
                  jax.ShapeDtypeStruct((NPAD,), _F32)),
        mesh=_mesh(),
        scratch_types=[
            pltpu.VMEM_SHARED((NPAD, H), _F32),
            pltpu.VMEM_SHARED((NPAD, H), _F32),
            pltpu.VMEM_SHARED((NPAD,), _F32),
            pltpu.VMEM((2 * EPW,), jnp.int32),
            pltpu.VMEM((EPW,), jnp.int32),
            pltpu.VMEM((EPW,), jnp.int32),
            pltpu.VMEM((NBUF, CH, H), _F32),
            pltpu.VMEM((RPS, H), _F32),
            pltpu.VMEM((RPS,), _F32),
            pltpu.VMEM((CH,), _F32),
            pltpu.SemaphoreType.DMA,
            pltpu.SemaphoreType.DMA,
        ],
        compiler_params=pltpu.CompilerParams(
            use_tc_tiling_on_sc=False, needs_layout_passes=False),
    )


@functools.lru_cache(maxsize=None)
def _make_scatter(K):

    def scatter(y_hbm, ei_f, part, acc_sh, sbuf, dbuf, rows,
                obuf, gsem, ssem):
        c = lax.axis_index("c")
        s = lax.axis_index("s")
        wid = s * NC + c
        _zero_f32(obuf, RPS, K)
        pltpu.sync_copy(obuf, acc_sh.at[pl.ds(s * RPS, RPS)])
        plsc.subcore_barrier()

        pltpu.sync_copy(ei_f.at[pl.ds(wid * EPW, EPW)], sbuf)
        pltpu.sync_copy(ei_f.at[pl.ds(E + wid * EPW, EPW)], dbuf)
        _edge_loop(y_hbm, acc_sh, sbuf, dbuf, rows, gsem, ssem)
        plsc.subcore_barrier()

        pltpu.sync_copy(acc_sh.at[pl.ds(s * RPS, RPS)], obuf)
        pltpu.sync_copy(obuf, part.at[c, pl.ds(s * RPS, RPS)])

    return pl.kernel(
        scatter,
        out_type=jax.ShapeDtypeStruct((NC, NPAD, K), _F32),
        mesh=_mesh(),
        scratch_types=[
            pltpu.VMEM_SHARED((NPAD, K), _F32),
            pltpu.VMEM((EPW,), jnp.int32),
            pltpu.VMEM((EPW,), jnp.int32),
            pltpu.VMEM((NBUF, CH, K), _F32),
            pltpu.VMEM((RPS, K), _F32),
            pltpu.SemaphoreType.DMA,
            pltpu.SemaphoreType.DMA,
        ],
        compiler_params=pltpu.CompilerParams(
            use_tc_tiling_on_sc=False, needs_layout_passes=False),
    )


def _tc1_body(x_ref, w_ref, y_ref):
    y_ref[pl.ds(0, N), :] = jnp.dot(x_ref[...], w_ref[...],
                                    preferred_element_type=_F32)


def _tc2_body(p, xw, dinv, b1, w2, y2_ref):
    d = dinv[...]
    h = jnp.maximum(d * (p[0] + p[1] + d * xw[...]) + b1[...], 0.0)
    y2_ref[...] = jnp.dot(h, w2[...], preferred_element_type=_F32) * d


def _tc3_body(q, y2, dinv, b2, out_ref):
    z = dinv[...] * (q[0] + q[1] + y2[...]) + b2[...]
    m = jnp.max(z, axis=1, keepdims=True)
    e = jnp.exp(z - m)
    lse = jnp.log(jnp.sum(e, axis=1, keepdims=True)) + m
    out_ref[...] = (z - lse)[:N, :OUT]


def kernel(x, edge_index, W1, b1, W2, b2):
    ei_f = edge_index.reshape(2 * E)

    xw = pl.pallas_call(
        _tc1_body,
        out_shape=jax.ShapeDtypeStruct((NPAD, H), _F32),
    )(x, W1)

    p, dinv = _get_layer1()(xw, ei_f)
    dinv2 = dinv.reshape(NPAD, 1)

    w2p = jnp.pad(W2, ((0, 0), (0, 48 - OUT)))
    b2p = jnp.concatenate([b2, jnp.full((48 - OUT,), -1e30, _F32)])
    y2 = pl.pallas_call(
        _tc2_body,
        out_shape=jax.ShapeDtypeStruct((NPAD, 48), _F32),
    )(p, xw, dinv2, b1.reshape(1, H), w2p)

    q = _make_scatter(48)(y2, ei_f)

    return pl.pallas_call(
        _tc3_body,
        out_shape=jax.ShapeDtypeStruct((N, OUT), _F32),
    )(q, y2, dinv2, b2p.reshape(1, 48))

# --- scband reference (transcript-rebuilt; emitter-appended) ---
"""Pipeline reference for scband-gcn-84774064488740 (READ-ONLY COPY).

The authoritative reference and input builder live on the scoring server;
editing this copy changes nothing except your own understanding.
"""

import jax, jax.numpy as jnp
import numpy as np

N = 10000
E = 320000
D = 128
H = 16
OUT = 40


def gcn_conv(x, edge_index, W, b, num_nodes):
    # PyG GCNConv: linear transform, add self-loops, sym-normalized scatter-add aggregation, bias
    x = x @ W
    src = edge_index[0]
    dst = edge_index[1]
    loop = jnp.arange(num_nodes, dtype=src.dtype)
    src = jnp.concatenate([src, loop])
    dst = jnp.concatenate([dst, loop])
    deg = jnp.zeros((num_nodes,), dtype=x.dtype).at[dst].add(1.0)
    dinv = jnp.where(deg > 0, 1.0 / jnp.sqrt(deg), 0.0)
    norm = dinv[src] * dinv[dst]
    msg = x[src] * norm[:, None]
    out = jnp.zeros((num_nodes, x.shape[1]), dtype=x.dtype).at[dst].add(msg)
    return out + b


def setup_inputs(seed: int = 0) -> dict:
    key = jax.random.key(seed)
    k1, k2, k3, k4, k5, k6 = jax.random.split(key, 6)
    x = jax.random.normal(k1, (N, D), dtype=jnp.float32)
    edge_index = jax.random.randint(k2, (2, E), 0, N, dtype=jnp.int32)
    W1 = jax.random.normal(k3, (D, H), dtype=jnp.float32) * (1.0 / np.sqrt(D))
    b1 = jnp.zeros((H,), dtype=jnp.float32)
    W2 = jax.random.normal(k4, (H, OUT), dtype=jnp.float32) * (1.0 / np.sqrt(H))
    b2 = jnp.zeros((OUT,), dtype=jnp.float32)
    return {"x": x, "edge_index": edge_index, "W1": W1, "b1": b1, "W2": W2, "b2": b2}


def reference(x, edge_index, W1, b1, W2, b2):
    h = gcn_conv(x, edge_index, W1, b1, N)
    h = jax.nn.relu(h)
    # dropout is identity in eval mode (training=False)
    out = gcn_conv(h, edge_index, W2, b2, N)
    return jax.nn.log_softmax(out, axis=1)

if __name__ == "__main__":
    import jax
    _d = setup_inputs()
    print(jax.jit(kernel)(*tuple(_d.values())))

</pallas_src>

<mosaic_0001>
#map = affine_map<(d0, d1) -> (0, 0)>
#map1 = affine_map<(d0, d1) -> (0)>
#map2 = affine_map<(d0, d1) -> (0, 0, 0)>
module attributes {stable_mosaic.version = 14 : i64} {
  func.func @_sc_layer1_body(%arg0: i32, %arg1: i32, %arg2: memref<10240x16xf32, #tpu.memory_space<hbm>>, %arg3: memref<640000xi32, #tpu.memory_space<hbm>>, %arg4: memref<2x10240x16xf32, #tpu.memory_space<hbm>>, %arg5: memref<10240xf32, #tpu.memory_space<hbm>>, %arg6: memref<10240x16xf32, #tpu.memory_space<vmem_shared>>, %arg7: memref<10240x16xf32, #tpu.memory_space<vmem_shared>>, %arg8: memref<10240xf32, #tpu.memory_space<vmem_shared>>, %arg9: memref<20000xi32, #tpu.memory_space<vmem>>, %arg10: memref<10000xi32, #tpu.memory_space<vmem>>, %arg11: memref<10000xi32, #tpu.memory_space<vmem>>, %arg12: memref<8x80x16xf32, #tpu.memory_space<vmem>>, %arg13: memref<640x16xf32, #tpu.memory_space<vmem>>, %arg14: memref<640xf32, #tpu.memory_space<vmem>>, %arg15: memref<80xf32, #tpu.memory_space<vmem>>, %arg16: memref<!tpu.dma_semaphore, #tpu.memory_space<semaphore_mem>>, %arg17: memref<!tpu.dma_semaphore, #tpu.memory_space<semaphore_mem>>) attributes {dimension_semantics = [#tpu.dimension_semantics<core_parallel>, #tpu.dimension_semantics<subcore_parallel>], iteration_bounds = array<i64: 2, 16>, scalar_prefetch = 0 : i64, scratch_operands = 12 : i64, tpu.core_type = #tpu.core_type<sc_vector_subcore>, window_params = [{transform_indices = #map}, {transform_indices = #map1}, {transform_indices = #map2}, {transform_indices = #map1}]} {
    %mul3A = arith.constant 2 : i32
    %mul3A_0 = arith.muli %arg1, %mul3A : i32
    %add3A = arith.addi %mul3A_0, %arg0 : i32
    %broadcast_in_dim3A = arith.constant 0.000000e+00 : f32
    %broadcast_in_dim3A_1 = vector.broadcast %broadcast_in_dim3A : f32 to vector<16xf32>
    %broadcast_in_dim3A_2 = arith.constant 0.000000e+00 : f32
    %broadcast_in_dim3A_3 = vector.broadcast %broadcast_in_dim3A_2 : f32 to vector<16xf32>
    %scan3A = arith.constant 0 : i32
    %scan3A_4 = arith.constant 0 : i32
    %scan3A_5 = arith.constant 640 : i32
    %scan3A_6 = arith.addi %scan3A_4, %scan3A_5 : i32
    %scan3A_7 = arith.constant 1 : i32
    %scan3A_8 = scf.for %scan3A_293 = %scan3A_4 to %scan3A_6 step %scan3A_7 iter_args(%scan3A_294 = %scan3A) -> (i32)  : i32 {
      %swap3A_295 = arith.index_cast %scan3A_293 : i32 to index
      %swap3A_296 = arith.constant 0 : index
      %swap3A_297 = tpu.vector_load %arg13[%swap3A_295, %swap3A_296] {strides = array<i32>} : memref<640x16xf32, #tpu.memory_space<vmem>>, vector<16xf32>,
      tpu.vector_store %arg13[%swap3A_295, %swap3A_296], %broadcast_in_dim3A_3 {strides = array<i32>} : memref<640x16xf32, #tpu.memory_space<vmem>>, vector<16xf32>,
      %scan3A_298 = arith.constant 0 : i32
      scf.yield %scan3A_298 : i32
    }
    %scan3A_9 = arith.constant 640 : i32
    %mul3A_10 = arith.constant 640 : i32
    %mul3A_11 = arith.muli %arg1, %mul3A_10 : i32
    "tpu.region"() ({
      %run_scoped3A = tpu.sem_alloc : memref<!tpu.dma_semaphore, #tpu.memory_space<semaphore_mem>>
      %dma_start3A_293 = arith.constant 0 : i32
      %dma_start3A_294 = tpu.memref_slice %arg7[%mul3A_11, %dma_start3A_293] : memref<10240x16xf32, #tpu.memory_space<vmem_shared>> -> memref<640x16xf32, #tpu.memory_space<vmem_shared>>
      %dma_start3A_295 = arith.constant 0 : i32
      %dma_start3A_296 = tpu.memref_slice %arg7[%mul3A_11, %dma_start3A_295] : memref<10240x16xf32, #tpu.memory_space<vmem_shared>> -> memref<640x16xf32, #tpu.memory_space<vmem_shared>>
      tpu.enqueue_dma source(%arg13 : memref<640x16xf32, #tpu.memory_space<vmem>>) target(%dma_start3A_296 : memref<640x16xf32, #tpu.memory_space<vmem_shared>>) target_semaphore(%run_scoped3A : memref<!tpu.dma_semaphore, #tpu.memory_space<semaphore_mem>>)
      %dma_wait3A_297 = arith.constant 0 : i32
      %dma_wait3A_298 = tpu.memref_slice %arg7[%mul3A_11, %dma_wait3A_297] : memref<10240x16xf32, #tpu.memory_space<vmem_shared>> -> memref<640x16xf32, #tpu.memory_space<vmem_shared>>
      %dma_wait3A_299 = arith.constant 0 : i32
      %dma_wait3A_300 = tpu.memref_slice %arg7[%mul3A_11, %dma_wait3A_299] : memref<10240x16xf32, #tpu.memory_space<vmem_shared>> -> memref<640x16xf32, #tpu.memory_space<vmem_shared>>
      tpu.wait_dma2 semaphore(%run_scoped3A : memref<!tpu.dma_semaphore, #tpu.memory_space<semaphore_mem>>) src(%arg13 : memref<640x16xf32, #tpu.memory_space<vmem>>) dst(%dma_wait3A_300 : memref<640x16xf32, #tpu.memory_space<vmem_shared>>)
      tpu.yield
    }) : () -> ()
    %scan3A_12 = arith.constant 0 : i32
    %scan3A_13 = arith.constant 0 : i32
    %scan3A_14 = arith.constant 40 : i32
    %scan3A_15 = arith.addi %scan3A_13, %scan3A_14 : i32
    %scan3A_16 = arith.constant 1 : i32
    %scan3A_17 = scf.for %scan3A_293 = %scan3A_13 to %scan3A_15 step %scan3A_16 iter_args(%scan3A_294 = %scan3A_12) -> (i32)  : i32 {
      %mul3A_295 = arith.constant 16 : i32
      %mul3A_296 = arith.muli %scan3A_293, %mul3A_295 : i32
      %swap3A_297 = arith.index_cast %mul3A_296 : i32 to index
      %swap3A_298 = tpu.vector_load %arg14[%swap3A_297] {strides = array<i32>} : memref<640xf32, #tpu.memory_space<vmem>>, vector<16xf32>,
      tpu.vector_store %arg14[%swap3A_297], %broadcast_in_dim3A_1 {strides = array<i32>} : memref<640xf32, #tpu.memory_space<vmem>>, vector<16xf32>,
      %scan3A_299 = arith.constant 0 : i32
      scf.yield %scan3A_299 : i32
    }
    %scan3A_18 = arith.constant 40 : i32
    %mul3A_19 = arith.constant 640 : i32
    %mul3A_20 = arith.muli %arg1, %mul3A_19 : i32
    "tpu.region"() ({
      %run_scoped3A = tpu.sem_alloc : memref<!tpu.dma_semaphore, #tpu.memory_space<semaphore_mem>>
      %dma_start3A_293 = tpu.memref_slice %arg8[%mul3A_20] : memref<10240xf32, #tpu.memory_space<vmem_shared>> -> memref<640xf32, #tpu.memory_space<vmem_shared>>
      %dma_start3A_294 = tpu.memref_slice %arg8[%mul3A_20] : memref<10240xf32, #tpu.memory_space<vmem_shared>> -> memref<640xf32, #tpu.memory_space<vmem_shared>>
      tpu.enqueue_dma source(%arg14 : memref<640xf32, #tpu.memory_space<vmem>>) target(%dma_start3A_294 : memref<640xf32, #tpu.memory_space<vmem_shared>>) target_semaphore(%run_scoped3A : memref<!tpu.dma_semaphore, #tpu.memory_space<semaphore_mem>>)
      %dma_wait3A_295 = tpu.memref_slice %arg8[%mul3A_20] : memref<10240xf32, #tpu.memory_space<vmem_shared>> -> memref<640xf32, #tpu.memory_space<vmem_shared>>
      %dma_wait3A_296 = tpu.memref_slice %arg8[%mul3A_20] : memref<10240xf32, #tpu.memory_space<vmem_shared>> -> memref<640xf32, #tpu.memory_space<vmem_shared>>
      tpu.wait_dma2 semaphore(%run_scoped3A : memref<!tpu.dma_semaphore, #tpu.memory_space<semaphore_mem>>) src(%arg14 : memref<640xf32, #tpu.memory_space<vmem>>) dst(%dma_wait3A_296 : memref<640xf32, #tpu.memory_space<vmem_shared>>)
      tpu.yield
    }) : () -> ()
    %broadcast_in_dim3A_21 = arith.constant 1.000000e+00 : f32
    %broadcast_in_dim3A_22 = vector.broadcast %broadcast_in_dim3A_21 : f32 to vector<16xf32>
    %swap3A = arith.constant 0 : index
    %swap3A_23 = tpu.vector_load %arg15[%swap3A] {strides = array<i32>} : memref<80xf32, #tpu.memory_space<vmem>>, vector<16xf32>,
    tpu.vector_store %arg15[%swap3A], %broadcast_in_dim3A_22 {strides = array<i32>} : memref<80xf32, #tpu.memory_space<vmem>>, vector<16xf32>,
    %broadcast_in_dim3A_24 = arith.constant 1.000000e+00 : f32
    %broadcast_in_dim3A_25 = vector.broadcast %broadcast_in_dim3A_24 : f32 to vector<16xf32>
    %swap3A_26 = arith.constant 16 : index
    %swap3A_27 = tpu.vector_load %arg15[%swap3A_26] {strides = array<i32>} : memref<80xf32, #tpu.memory_space<vmem>>, vector<16xf32>,
    tpu.vector_store %arg15[%swap3A_26], %broadcast_in_dim3A_25 {strides = array<i32>} : memref<80xf32, #tpu.memory_space<vmem>>, vector<16xf32>,
    %broadcast_in_dim3A_28 = arith.constant 1.000000e+00 : f32
    %broadcast_in_dim3A_29 = vector.broadcast %broadcast_in_dim3A_28 : f32 to vector<16xf32>
    %swap3A_30 = arith.constant 32 : index
    %swap3A_31 = tpu.vector_load %arg15[%swap3A_30] {strides = array<i32>} : memref<80xf32, #tpu.memory_space<vmem>>, vector<16xf32>,
    tpu.vector_store %arg15[%swap3A_30], %broadcast_in_dim3A_29 {strides = array<i32>} : memref<80xf32, #tpu.memory_space<vmem>>, vector<16xf32>,
    %broadcast_in_dim3A_32 = arith.constant 1.000000e+00 : f32
    %broadcast_in_dim3A_33 = vector.broadcast %broadcast_in_dim3A_32 : f32 to vector<16xf32>
    %swap3A_34 = arith.constant 48 : index
    %swap3A_35 = tpu.vector_load %arg15[%swap3A_34] {strides = array<i32>} : memref<80xf32, #tpu.memory_space<vmem>>, vector<16xf32>,
    tpu.vector_store %arg15[%swap3A_34], %broadcast_in_dim3A_33 {strides = array<i32>} : memref<80xf32, #tpu.memory_space<vmem>>, vector<16xf32>,
    %broadcast_in_dim3A_36 = arith.constant 1.000000e+00 : f32
    %broadcast_in_dim3A_37 = vector.broadcast %broadcast_in_dim3A_36 : f32 to vector<16xf32>
    %swap3A_38 = arith.constant 64 : index
    %swap3A_39 = tpu.vector_load %arg15[%swap3A_38] {strides = array<i32>} : memref<80xf32, #tpu.memory_space<vmem>>, vector<16xf32>,
    tpu.vector_store %arg15[%swap3A_38], %broadcast_in_dim3A_37 {strides = array<i32>} : memref<80xf32, #tpu.memory_space<vmem>>, vector<16xf32>,
    %barrier3A = arith.constant 0 : index
    tpu.barrier barrier_id(%barrier3A)
    %mul3A_40 = arith.constant 2 : i32
    %mul3A_41 = arith.muli %arg1, %mul3A_40 : i32
    %mul3A_42 = arith.constant 10000 : i32
    %mul3A_43 = arith.muli %mul3A_41, %mul3A_42 : i32
    %add3A_44 = arith.constant 320000 : i32
    %add3A_45 = arith.addi %add3A_44, %mul3A_43 : i32
    "tpu.region"() ({
      %run_scoped3A = tpu.sem_alloc : memref<!tpu.dma_semaphore, #tpu.memory_space<semaphore_mem>>
      %dma_start3A_293 = tpu.memref_slice %arg3[%add3A_45] : memref<640000xi32, #tpu.memory_space<hbm>> -> memref<20000xi32, #tpu.memory_space<hbm>>
      %dma_start3A_294 = tpu.memref_slice %arg3[%add3A_45] : memref<640000xi32, #tpu.memory_space<hbm>> -> memref<20000xi32, #tpu.memory_space<hbm>>
      tpu.enqueue_dma source(%dma_start3A_294 : memref<20000xi32, #tpu.memory_space<hbm>>) target(%arg9 : memref<20000xi32, #tpu.memory_space<vmem>>) target_semaphore(%run_scoped3A : memref<!tpu.dma_semaphore, #tpu.memory_space<semaphore_mem>>)
      %dma_wait3A_295 = tpu.memref_slice %arg3[%add3A_45] : memref<640000xi32, #tpu.memory_space<hbm>> -> memref<20000xi32, #tpu.memory_space<hbm>>
      %dma_wait3A_296 = tpu.memref_slice %arg3[%add3A_45] : memref<640000xi32, #tpu.memory_space<hbm>> -> memref<20000xi32, #tpu.memory_space<hbm>>
      tpu.wait_dma2 semaphore(%run_scoped3A : memref<!tpu.dma_semaphore, #tpu.memory_space<semaphore_mem>>) src(%dma_wait3A_296 : memref<20000xi32, #tpu.memory_space<hbm>>) dst(%arg9 : memref<20000xi32, #tpu.memory_space<vmem>>)
      tpu.yield
    }) : () -> ()
    %scan3A_46 = arith.constant 0 : i32
    %scan3A_47 = arith.constant 0 : i32
    %scan3A_48 = arith.constant 250 : i32
    %scan3A_49 = arith.addi %scan3A_47, %scan3A_48 : i32
    %scan3A_50 = arith.constant 1 : i32
    %scan3A_51 = scf.for %scan3A_293 = %scan3A_47 to %scan3A_49 step %scan3A_50 iter_args(%scan3A_294 = %scan3A_46) -> (i32)  : i32 {
      %mul3A_295 = arith.constant 80 : i32
      %mul3A_296 = arith.muli %scan3A_293, %mul3A_295 : i32
      %dma_start3A_297 = tpu.memref_slice %arg9[%mul3A_296] : memref<20000xi32, #tpu.memory_space<vmem>> -> memref<80xi32, #tpu.memory_space<vmem>>
      %dma_start3A_298 = arith.constant 0 : i32
      %dma_start3A_299 = tpu.memref_slice %arg8[%dma_start3A_298] : memref<10240xf32, #tpu.memory_space<vmem_shared>> -> memref<10240xf32, #tpu.memory_space<vmem_shared>>
      tpu.enqueue_indirect_dma source(%arg15 : memref<80xf32, #tpu.memory_space<vmem>>) target(%dma_start3A_299 : memref<10240xf32, #tpu.memory_space<vmem_shared>>) offsets(%dma_start3A_297 : memref<80xi32, #tpu.memory_space<vmem>>) semaphore(%arg16 : memref<!tpu.dma_semaphore, #tpu.memory_space<semaphore_mem>>) {add = true}
      %ge3A = arith.constant 12 : i32
      %ge3A_300 = arith.cmpi sge, %scan3A_293, %ge3A : i32
      %convert_element_type3A_301 = arith.extui %ge3A_300 : i1 to i32
      %cond3A_302 = arith.constant 0 : i32
      %cond3A_303 = arith.cmpi ne, %convert_element_type3A_301, %cond3A_302 : i32
      scf.if %cond3A_303 {
        %dma_wait3A_305 = arith.constant 0 : i32
        %dma_wait3A_306 = tpu.memref_slice %arg9[%dma_wait3A_305] : memref<20000xi32, #tpu.memory_space<vmem>> -> memref<80xi32, #tpu.memory_space<vmem>>
        %dma_wait3A_307 = arith.constant 0 : i32
        %dma_wait3A_308 = tpu.memref_slice %arg8[%dma_wait3A_307] : memref<10240xf32, #tpu.memory_space<vmem_shared>> -> memref<10240xf32, #tpu.memory_space<vmem_shared>>
        tpu.wait_indirect_dma semaphore(%arg16 : memref<!tpu.dma_semaphore, #tpu.memory_space<semaphore_mem>>) src(%arg15 : memref<80xf32, #tpu.memory_space<vmem>>) dst(%dma_wait3A_308 : memref<10240xf32, #tpu.memory_space<vmem_shared>>)
      } else {
      }
      %scan3A_304 = arith.constant 0 : i32
      scf.yield %scan3A_304 : i32
    }
    %scan3A_52 = arith.constant 250 : i32
    %dma_wait3A = arith.constant 0 : i32
    %dma_wait3A_53 = tpu.memref_slice %arg9[%dma_wait3A] : memref<20000xi32, #tpu.memory_space<vmem>> -> memref<80xi32, #tpu.memory_space<vmem>>
    %dma_wait3A_54 = arith.constant 0 : i32
    %dma_wait3A_55 = tpu.memref_slice %arg8[%dma_wait3A_54] : memref<10240xf32, #tpu.memory_space<vmem_shared>> -> memref<10240xf32, #tpu.memory_space<vmem_shared>>
    tpu.wait_indirect_dma semaphore(%arg16 : memref<!tpu.dma_semaphore, #tpu.memory_space<semaphore_mem>>) src(%arg15 : memref<80xf32, #tpu.memory_space<vmem>>) dst(%dma_wait3A_55 : memref<10240xf32, #tpu.memory_space<vmem_shared>>)
    %dma_wait3A_56 = arith.constant 0 : i32
    %dma_wait3A_57 = tpu.memref_slice %arg9[%dma_wait3A_56] : memref<20000xi32, #tpu.memory_space<vmem>> -> memref<80xi32, #tpu.memory_space<vmem>>
    %dma_wait3A_58 = arith.constant 0 : i32
    %dma_wait3A_59 = tpu.memref_slice %arg8[%dma_wait3A_58] : memref<10240xf32, #tpu.memory_space<vmem_shared>> -> memref<10240xf32, #tpu.memory_space<vmem_shared>>
    tpu.wait_indirect_dma semaphore(%arg16 : memref<!tpu.dma_semaphore, #tpu.memory_space<semaphore_mem>>) src(%arg15 : memref<80xf32, #tpu.memory_space<vmem>>) dst(%dma_wait3A_59 : memref<10240xf32, #tpu.memory_space<vmem_shared>>)
    %dma_wait3A_60 = arith.constant 0 : i32
    %dma_wait3A_61 = tpu.memref_slice %arg9[%dma_wait3A_60] : memref<20000xi32, #tpu.memory_space<vmem>> -> memref<80xi32, #tpu.memory_space<vmem>>
    %dma_wait3A_62 = arith.constant 0 : i32
    %dma_wait3A_63 = tpu.memref_slice %arg8[%dma_wait3A_62] : memref<10240xf32, #tpu.memory_space<vmem_shared>> -> memref<10240xf32, #tpu.memory_space<vmem_shared>>
    tpu.wait_indirect_dma semaphore(%arg16 : memref<!tpu.dma_semaphore, #tpu.memory_space<semaphore_mem>>) src(%arg15 : memref<80xf32, #tpu.memory_space<vmem>>) dst(%dma_wait3A_63 : memref<10240xf32, #tpu.memory_space<vmem_shared>>)
    %dma_wait3A_64 = arith.constant 0 : i32
    %dma_wait3A_65 = tpu.memref_slice %arg9[%dma_wait3A_64] : memref<20000xi32, #tpu.memory_space<vmem>> -> memref<80xi32, #tpu.memory_space<vmem>>
    %dma_wait3A_66 = arith.constant 0 : i32
    %dma_wait3A_67 = tpu.memref_slice %arg8[%dma_wait3A_66] : memref<10240xf32, #tpu.memory_space<vmem_shared>> -> memref<10240xf32, #tpu.memory_space<vmem_shared>>
    tpu.wait_indirect_dma semaphore(%arg16 : memref<!tpu.dma_semaphore, #tpu.memory_space<semaphore_mem>>) src(%arg15 : memref<80xf32, #tpu.memory_space<vmem>>) dst(%dma_wait3A_67 : memref<10240xf32, #tpu.memory_space<vmem_shared>>)
    %dma_wait3A_68 = arith.constant 0 : i32
    %dma_wait3A_69 = tpu.memref_slice %arg9[%dma_wait3A_68] : memref<20000xi32, #tpu.memory_space<vmem>> -> memref<80xi32, #tpu.memory_space<vmem>>
    %dma_wait3A_70 = arith.constant 0 : i32
    %dma_wait3A_71 = tpu.memref_slice %arg8[%dma_wait3A_70] : memref<10240xf32, #tpu.memory_space<vmem_shared>> -> memref<10240xf32, #tpu.memory_space<vmem_shared>>
    tpu.wait_indirect_dma semaphore(%arg16 : memref<!tpu.dma_semaphore, #tpu.memory_space<semaphore_mem>>) src(%arg15 : memref<80xf32, #tpu.memory_space<vmem>>) dst(%dma_wait3A_71 : memref<10240xf32, #tpu.memory_space<vmem_shared>>)
    %dma_wait3A_72 = arith.constant 0 : i32
    %dma_wait3A_73 = tpu.memref_slice %arg9[%dma_wait3A_72] : memref<20000xi32, #tpu.memory_space<vmem>> -> memref<80xi32, #tpu.memory_space<vmem>>
    %dma_wait3A_74 = arith.constant 0 : i32
    %dma_wait3A_75 = tpu.memref_slice %arg8[%dma_wait3A_74] : memref<10240xf32, #tpu.memory_space<vmem_shared>> -> memref<10240xf32, #tpu.memory_space<vmem_shared>>
    tpu.wait_indirect_dma semaphore(%arg16 : memref<!tpu.dma_semaphore, #tpu.memory_space<semaphore_mem>>) src(%arg15 : memref<80xf32, #tpu.memory_space<vmem>>) dst(%dma_wait3A_75 : memref<10240xf32, #tpu.memory_space<vmem_shared>>)
    %dma_wait3A_76 = arith.constant 0 : i32
    %dma_wait3A_77 = tpu.memref_slice %arg9[%dma_wait3A_76] : memref<20000xi32, #tpu.memory_space<vmem>> -> memref<80xi32, #tpu.memory_space<vmem>>
    %dma_wait3A_78 = arith.constant 0 : i32
    %dma_wait3A_79 = tpu.memref_slice %arg8[%dma_wait3A_78] : memref<10240xf32, #tpu.memory_space<vmem_shared>> -> memref<10240xf32, #tpu.memory_space<vmem_shared>>
    tpu.wait_indirect_dma semaphore(%arg16 : memref<!tpu.dma_semaphore, #tpu.memory_space<semaphore_mem>>) src(%arg15 : memref<80xf32, #tpu.memory_space<vmem>>) dst(%dma_wait3A_79 : memref<10240xf32, #tpu.memory_space<vmem_shared>>)
    %dma_wait3A_80 = arith.constant 0 : i32
    %dma_wait3A_81 = tpu.memref_slice %arg9[%dma_wait3A_80] : memref<20000xi32, #tpu.memory_space<vmem>> -> memref<80xi32, #tpu.memory_space<vmem>>
    %dma_wait3A_82 = arith.constant 0 : i32
    %dma_wait3A_83 = tpu.memref_slice %arg8[%dma_wait3A_82] : memref<10240xf32, #tpu.memory_space<vmem_shared>> -> memref<10240xf32, #tpu.memory_space<vmem_shared>>
    tpu.wait_indirect_dma semaphore(%arg16 : memref<!tpu.dma_semaphore, #tpu.memory_space<semaphore_mem>>) src(%arg15 : memref<80xf32, #tpu.memory_space<vmem>>) dst(%dma_wait3A_83 : memref<10240xf32, #tpu.memory_space<vmem_shared>>)
    %dma_wait3A_84 = arith.constant 0 : i32
    %dma_wait3A_85 = tpu.memref_slice %arg9[%dma_wait3A_84] : memref<20000xi32, #tpu.memory_space<vmem>> -> memref<80xi32, #tpu.memory_space<vmem>>
    %dma_wait3A_86 = arith.constant 0 : i32
    %dma_wait3A_87 = tpu.memref_slice %arg8[%dma_wait3A_86] : memref<10240xf32, #tpu.memory_space<vmem_shared>> -> memref<10240xf32, #tpu.memory_space<vmem_shared>>
    tpu.wait_indirect_dma semaphore(%arg16 : memref<!tpu.dma_semaphore, #tpu.memory_space<semaphore_mem>>) src(%arg15 : memref<80xf32, #tpu.memory_space<vmem>>) dst(%dma_wait3A_87 : memref<10240xf32, #tpu.memory_space<vmem_shared>>)
    %dma_wait3A_88 = arith.constant 0 : i32
    %dma_wait3A_89 = tpu.memref_slice %arg9[%dma_wait3A_88] : memref<20000xi32, #tpu.memory_space<vmem>> -> memref<80xi32, #tpu.memory_space<vmem>>
    %dma_wait3A_90 = arith.constant 0 : i32
    %dma_wait3A_91 = tpu.memref_slice %arg8[%dma_wait3A_90] : memref<10240xf32, #tpu.memory_space<vmem_shared>> -> memref<10240xf32, #tpu.memory_space<vmem_shared>>
    tpu.wait_indirect_dma semaphore(%arg16 : memref<!tpu.dma_semaphore, #tpu.memory_space<semaphore_mem>>) src(%arg15 : memref<80xf32, #tpu.memory_space<vmem>>) dst(%dma_wait3A_91 : memref<10240xf32, #tpu.memory_space<vmem_shared>>)
    %dma_wait3A_92 = arith.constant 0 : i32
    %dma_wait3A_93 = tpu.memref_slice %arg9[%dma_wait3A_92] : memref<20000xi32, #tpu.memory_space<vmem>> -> memref<80xi32, #tpu.memory_space<vmem>>
    %dma_wait3A_94 = arith.constant 0 : i32
    %dma_wait3A_95 = tpu.memref_slice %arg8[%dma_wait3A_94] : memref<10240xf32, #tpu.memory_space<vmem_shared>> -> memref<10240xf32, #tpu.memory_space<vmem_shared>>
    tpu.wait_indirect_dma semaphore(%arg16 : memref<!tpu.dma_semaphore, #tpu.memory_space<semaphore_mem>>) src(%arg15 : memref<80xf32, #tpu.memory_space<vmem>>) dst(%dma_wait3A_95 : memref<10240xf32, #tpu.memory_space<vmem_shared>>)
    %dma_wait3A_96 = arith.constant 0 : i32
    %dma_wait3A_97 = tpu.memref_slice %arg9[%dma_wait3A_96] : memref<20000xi32, #tpu.memory_space<vmem>> -> memref<80xi32, #tpu.memory_space<vmem>>
    %dma_wait3A_98 = arith.constant 0 : i32
    %dma_wait3A_99 = tpu.memref_slice %arg8[%dma_wait3A_98] : memref<10240xf32, #tpu.memory_space<vmem_shared>> -> memref<10240xf32, #tpu.memory_space<vmem_shared>>
    tpu.wait_indirect_dma semaphore(%arg16 : memref<!tpu.dma_semaphore, #tpu.memory_space<semaphore_mem>>) src(%arg15 : memref<80xf32, #tpu.memory_space<vmem>>) dst(%dma_wait3A_99 : memref<10240xf32, #tpu.memory_space<vmem_shared>>)
    %barrier3A_100 = arith.constant 0 : index
    tpu.barrier barrier_id(%barrier3A_100)
    %mul3A_101 = arith.constant 640 : i32
    %mul3A_102 = arith.muli %arg1, %mul3A_101 : i32
    "tpu.region"() ({
      %run_scoped3A = tpu.sem_alloc : memref<!tpu.dma_semaphore, #tpu.memory_space<semaphore_mem>>
      %dma_start3A_293 = tpu.memref_slice %arg8[%mul3A_102] : memref<10240xf32, #tpu.memory_space<vmem_shared>> -> memref<640xf32, #tpu.memory_space<vmem_shared>>
      %dma_start3A_294 = tpu.memref_slice %arg8[%mul3A_102] : memref<10240xf32, #tpu.memory_space<vmem_shared>> -> memref<640xf32, #tpu.memory_space<vmem_shared>>
      tpu.enqueue_dma source(%dma_start3A_294 : memref<640xf32, #tpu.memory_space<vmem_shared>>) target(%arg14 : memref<640xf32, #tpu.memory_space<vmem>>) target_semaphore(%run_scoped3A : memref<!tpu.dma_semaphore, #tpu.memory_space<semaphore_mem>>)
      %dma_wait3A_295 = tpu.memref_slice %arg8[%mul3A_102] : memref<10240xf32, #tpu.memory_space<vmem_shared>> -> memref<640xf32, #tpu.memory_space<vmem_shared>>
      %dma_wait3A_296 = tpu.memref_slice %arg8[%mul3A_102] : memref<10240xf32, #tpu.memory_space<vmem_shared>> -> memref<640xf32, #tpu.memory_space<vmem_shared>>
      tpu.wait_dma2 semaphore(%run_scoped3A : memref<!tpu.dma_semaphore, #tpu.memory_space<semaphore_mem>>) src(%dma_wait3A_296 : memref<640xf32, #tpu.memory_space<vmem_shared>>) dst(%arg14 : memref<640xf32, #tpu.memory_space<vmem>>)
      tpu.yield
    }) : () -> ()
    %broadcast_in_dim3A_103 = arith.constant 1597463007 : i32
    %broadcast_in_dim3A_104 = vector.broadcast %broadcast_in_dim3A_103 : i32 to vector<16xi32>
    %scan3A_105 = arith.constant 0 : i32
    %scan3A_106 = arith.constant 0 : i32
    %scan3A_107 = arith.constant 40 : i32
    %scan3A_108 = arith.addi %scan3A_106, %scan3A_107 : i32
    %scan3A_109 = arith.constant 1 : i32
    %scan3A_110 = scf.for %scan3A_293 = %scan3A_106 to %scan3A_108 step %scan3A_109 iter_args(%scan3A_294 = %scan3A_105) -> (i32)  : i32 {
      %mul3A_295 = arith.constant 16 : i32
      %mul3A_296 = arith.muli %scan3A_293, %mul3A_295 : i32
      %get3A = arith.index_cast %mul3A_296 : i32 to index
      %get3A_297 = tpu.vector_load %arg14[%get3A] {strides = array<i32>} : memref<640xf32, #tpu.memory_space<vmem>>, vector<16xf32>,
      %add3A_298 = arith.constant 1.000000e+00 : f32
      %add3A_299 = vector.broadcast %add3A_298 : f32 to vector<16xf32>
      %add3A_300 = arith.addf %get3A_297, %add3A_299 : vector<16xf32>
      %bitcast_convert_type3A = tpu.bitcast %add3A_300 : vector<16xf32> -> vector<16xi32>
      %broadcast_in_dim3A_301 = arith.constant 1 : i32
      %broadcast_in_dim3A_302 = vector.broadcast %broadcast_in_dim3A_301 : i32 to vector<16xi32>
      %shift_right_arithmetic3A = arith.shrsi %bitcast_convert_type3A, %broadcast_in_dim3A_302 : vector<16xi32>
      %sub3A = arith.subi %broadcast_in_dim3A_104, %shift_right_arithmetic3A : vector<16xi32>
      %bitcast_convert_type3A_303 = tpu.bitcast %sub3A : vector<16xi32> -> vector<16xf32>
      %mul3A_304 = arith.constant 5.000000e-01 : f32
      %mul3A_305 = vector.broadcast %mul3A_304 : f32 to vector<16xf32>
      %mul3A_306 = arith.mulf %mul3A_305, %add3A_300 : vector<16xf32>
      %mul3A_307 = arith.mulf %mul3A_306, %bitcast_convert_type3A_303 : vector<16xf32>
      %mul3A_308 = arith.mulf %mul3A_307, %bitcast_convert_type3A_303 : vector<16xf32>
      %sub3A_309 = arith.constant 1.500000e+00 : f32
      %sub3A_310 = vector.broadcast %sub3A_309 : f32 to vector<16xf32>
      %sub3A_311 = arith.subf %sub3A_310, %mul3A_308 : vector<16xf32>
      %mul3A_312 = arith.mulf %bitcast_convert_type3A_303, %sub3A_311 : vector<16xf32>
      %mul3A_313 = arith.constant 5.000000e-01 : f32
      %mul3A_314 = vector.broadcast %mul3A_313 : f32 to vector<16xf32>
      %mul3A_315 = arith.mulf %mul3A_314, %add3A_300 : vector<16xf32>
      %mul3A_316 = arith.mulf %mul3A_315, %mul3A_312 : vector<16xf32>
      %mul3A_317 = arith.mulf %mul3A_316, %mul3A_312 : vector<16xf32>
      %sub3A_318 = arith.constant 1.500000e+00 : f32
      %sub3A_319 = vector.broadcast %sub3A_318 : f32 to vector<16xf32>
      %sub3A_320 = arith.subf %sub3A_319, %mul3A_317 : vector<16xf32>
      %mul3A_321 = arith.mulf %mul3A_312, %sub3A_320 : vector<16xf32>
      %mul3A_322 = arith.constant 5.000000e-01 : f32
      %mul3A_323 = vector.broadcast %mul3A_322 : f32 to vector<16xf32>
      %mul3A_324 = arith.mulf %mul3A_323, %add3A_300 : vector<16xf32>
      %mul3A_325 = arith.mulf %mul3A_324, %mul3A_321 : vector<16xf32>
      %mul3A_326 = arith.mulf %mul3A_325, %mul3A_321 : vector<16xf32>
      %sub3A_327 = arith.constant 1.500000e+00 : f32
      %sub3A_328 = vector.broadcast %sub3A_327 : f32 to vector<16xf32>
      %sub3A_329 = arith.subf %sub3A_328, %mul3A_326 : vector<16xf32>
      %mul3A_330 = arith.mulf %mul3A_321, %sub3A_329 : vector<16xf32>
      %mul3A_331 = arith.constant 16 : i32
      %mul3A_332 = arith.muli %scan3A_293, %mul3A_331 : i32
      %swap3A_333 = arith.index_cast %mul3A_332 : i32 to index
      %swap3A_334 = tpu.vector_load %arg14[%swap3A_333] {strides = array<i32>} : memref<640xf32, #tpu.memory_space<vmem>>, vector<16xf32>,
      tpu.vector_store %arg14[%swap3A_333], %mul3A_330 {strides = array<i32>} : memref<640xf32, #tpu.memory_space<vmem>>, vector<16xf32>,
      %scan3A_335 = arith.constant 0 : i32
      scf.yield %scan3A_335 : i32
    }
    %scan3A_111 = arith.constant 40 : i32
    %eq3A = arith.constant 0 : i32
    %eq3A_112 = arith.cmpi eq, %arg0, %eq3A : i32
    %convert_element_type3A = arith.extui %eq3A_112 : i1 to i32
    %cond3A = arith.constant 0 : i32
    %cond3A_113 = arith.cmpi ne, %convert_element_type3A, %cond3A : i32
    scf.if %cond3A_113 {
      %mul3A_293 = arith.constant 640 : i32
      %mul3A_294 = arith.muli %arg1, %mul3A_293 : i32
      "tpu.region"() ({
        %run_scoped3A = tpu.sem_alloc : memref<!tpu.dma_semaphore, #tpu.memory_space<semaphore_mem>>
        %dma_start3A_295 = tpu.memref_slice %arg5[%mul3A_294] : memref<10240xf32, #tpu.memory_space<hbm>> -> memref<640xf32, #tpu.memory_space<hbm>>
        %dma_start3A_296 = tpu.memref_slice %arg5[%mul3A_294] : memref<10240xf32, #tpu.memory_space<hbm>> -> memref<640xf32, #tpu.memory_space<hbm>>
        tpu.enqueue_dma source(%arg14 : memref<640xf32, #tpu.memory_space<vmem>>) target(%dma_start3A_296 : memref<640xf32, #tpu.memory_space<hbm>>) target_semaphore(%run_scoped3A : memref<!tpu.dma_semaphore, #tpu.memory_space<semaphore_mem>>)
        %dma_wait3A_297 = tpu.memref_slice %arg5[%mul3A_294] : memref<10240xf32, #tpu.memory_space<hbm>> -> memref<640xf32, #tpu.memory_space<hbm>>
        %dma_wait3A_298 = tpu.memref_slice %arg5[%mul3A_294] : memref<10240xf32, #tpu.memory_space<hbm>> -> memref<640xf32, #tpu.memory_space<hbm>>
        tpu.wait_dma2 semaphore(%run_scoped3A : memref<!tpu.dma_semaphore, #tpu.memory_space<semaphore_mem>>) src(%arg14 : memref<640xf32, #tpu.memory_space<vmem>>) dst(%dma_wait3A_298 : memref<640xf32, #tpu.memory_space<hbm>>)
        tpu.yield
      }) : () -> ()
    } else {
    }
    %mul3A_114 = arith.constant 640 : i32
    %mul3A_115 = arith.muli %arg1, %mul3A_114 : i32
    "tpu.region"() ({
      %run_scoped3A = tpu.sem_alloc : memref<!tpu.dma_semaphore, #tpu.memory_space<semaphore_mem>>
      %dma_start3A_293 = arith.constant 0 : i32
      %dma_start3A_294 = tpu.memref_slice %arg2[%mul3A_115, %dma_start3A_293] : memref<10240x16xf32, #tpu.memory_space<hbm>> -> memref<640x16xf32, #tpu.memory_space<hbm>>
      %dma_start3A_295 = arith.constant 0 : i32
      %dma_start3A_296 = tpu.memref_slice %arg2[%mul3A_115, %dma_start3A_295] : memref<10240x16xf32, #tpu.memory_space<hbm>> -> memref<640x16xf32, #tpu.memory_space<hbm>>
      tpu.enqueue_dma source(%dma_start3A_296 : memref<640x16xf32, #tpu.memory_space<hbm>>) target(%arg13 : memref<640x16xf32, #tpu.memory_space<vmem>>) target_semaphore(%run_scoped3A : memref<!tpu.dma_semaphore, #tpu.memory_space<semaphore_mem>>)
      %dma_wait3A_297 = arith.constant 0 : i32
      %dma_wait3A_298 = tpu.memref_slice %arg2[%mul3A_115, %dma_wait3A_297] : memref<10240x16xf32, #tpu.memory_space<hbm>> -> memref<640x16xf32, #tpu.memory_space<hbm>>
      %dma_wait3A_299 = arith.constant 0 : i32
      %dma_wait3A_300 = tpu.memref_slice %arg2[%mul3A_115, %dma_wait3A_299] : memref<10240x16xf32, #tpu.memory_space<hbm>> -> memref<640x16xf32, #tpu.memory_space<hbm>>
      tpu.wait_dma2 semaphore(%run_scoped3A : memref<!tpu.dma_semaphore, #tpu.memory_space<semaphore_mem>>) src(%dma_wait3A_300 : memref<640x16xf32, #tpu.memory_space<hbm>>) dst(%arg13 : memref<640x16xf32, #tpu.memory_space<vmem>>)
      tpu.yield
    }) : () -> ()
    %scan3A_116 = arith.constant 0 : i32
    %scan3A_117 = arith.constant 0 : i32
    %scan3A_118 = arith.constant 640 : i32
    %scan3A_119 = arith.addi %scan3A_117, %scan3A_118 : i32
    %scan3A_120 = arith.constant 1 : i32
    %scan3A_121 = scf.for %scan3A_293 = %scan3A_117 to %scan3A_119 step %scan3A_120 iter_args(%scan3A_294 = %scan3A_116) -> (i32)  : i32 {
      %broadcast_in_dim3A_295 = vector.broadcast %scan3A_293 : i32 to vector<16xi32>
      %gather3A = tpu.vector_load_idx %arg14[%broadcast_in_dim3A_295] : memref<640xf32, #tpu.memory_space<vmem>>[vector<16xi32>], vector<16xf32>,
      %get3A = arith.index_cast %scan3A_293 : i32 to index
      %get3A_296 = arith.constant 0 : index
      %get3A_297 = tpu.vector_load %arg13[%get3A, %get3A_296] {strides = array<i32>} : memref<640x16xf32, #tpu.memory_space<vmem>>, vector<16xf32>,
      %mul3A_298 = arith.mulf %get3A_297, %gather3A : vector<16xf32>
      %swap3A_299 = arith.index_cast %scan3A_293 : i32 to index
      %swap3A_300 = arith.constant 0 : index
      %swap3A_301 = tpu.vector_load %arg13[%swap3A_299, %swap3A_300] {strides = array<i32>} : memref<640x16xf32, #tpu.memory_space<vmem>>, vector<16xf32>,
      tpu.vector_store %arg13[%swap3A_299, %swap3A_300], %mul3A_298 {strides = array<i32>} : memref<640x16xf32, #tpu.memory_space<vmem>>, vector<16xf32>,
      %scan3A_302 = arith.constant 0 : i32
      scf.yield %scan3A_302 : i32
    }
    %scan3A_122 = arith.constant 640 : i32
    %mul3A_123 = arith.constant 640 : i32
    %mul3A_124 = arith.muli %arg1, %mul3A_123 : i32
    "tpu.region"() ({
      %run_scoped3A = tpu.sem_alloc : memref<!tpu.dma_semaphore, #tpu.memory_space<semaphore_mem>>
      %dma_start3A_293 = arith.constant 0 : i32
      %dma_start3A_294 = tpu.memref_slice %arg6[%mul3A_124, %dma_start3A_293] : memref<10240x16xf32, #tpu.memory_space<vmem_shared>> -> memref<640x16xf32, #tpu.memory_space<vmem_shared>>
      %dma_start3A_295 = arith.constant 0 : i32
      %dma_start3A_296 = tpu.memref_slice %arg6[%mul3A_124, %dma_start3A_295] : memref<10240x16xf32, #tpu.memory_space<vmem_shared>> -> memref<640x16xf32, #tpu.memory_space<vmem_shared>>
      tpu.enqueue_dma source(%arg13 : memref<640x16xf32, #tpu.memory_space<vmem>>) target(%dma_start3A_296 : memref<640x16xf32, #tpu.memory_space<vmem_shared>>) target_semaphore(%run_scoped3A : memref<!tpu.dma_semaphore, #tpu.memory_space<semaphore_mem>>)
      %dma_wait3A_297 = arith.constant 0 : i32
      %dma_wait3A_298 = tpu.memref_slice %arg6[%mul3A_124, %dma_wait3A_297] : memref<10240x16xf32, #tpu.memory_space<vmem_shared>> -> memref<640x16xf32, #tpu.memory_space<vmem_shared>>
      %dma_wait3A_299 = arith.constant 0 : i32
      %dma_wait3A_300 = tpu.memref_slice %arg6[%mul3A_124, %dma_wait3A_299] : memref<10240x16xf32, #tpu.memory_space<vmem_shared>> -> memref<640x16xf32, #tpu.memory_space<vmem_shared>>
      tpu.wait_dma2 semaphore(%run_scoped3A : memref<!tpu.dma_semaphore, #tpu.memory_space<semaphore_mem>>) src(%arg13 : memref<640x16xf32, #tpu.memory_space<vmem>>) dst(%dma_wait3A_300 : memref<640x16xf32, #tpu.memory_space<vmem_shared>>)
      tpu.yield
    }) : () -> ()
    %barrier3A_125 = arith.constant 0 : index
    tpu.barrier barrier_id(%barrier3A_125)
    %mul3A_126 = arith.constant 10000 : i32
    %mul3A_127 = arith.muli %add3A, %mul3A_126 : i32
    "tpu.region"() ({
      %run_scoped3A = tpu.sem_alloc : memref<!tpu.dma_semaphore, #tpu.memory_space<semaphore_mem>>
      %dma_start3A_293 = tpu.memref_slice %arg3[%mul3A_127] : memref<640000xi32, #tpu.memory_space<hbm>> -> memref<10000xi32, #tpu.memory_space<hbm>>
      %dma_start3A_294 = tpu.memref_slice %arg3[%mul3A_127] : memref<640000xi32, #tpu.memory_space<hbm>> -> memref<10000xi32, #tpu.memory_space<hbm>>
      tpu.enqueue_dma source(%dma_start3A_294 : memref<10000xi32, #tpu.memory_space<hbm>>) target(%arg10 : memref<10000xi32, #tpu.memory_space<vmem>>) target_semaphore(%run_scoped3A : memref<!tpu.dma_semaphore, #tpu.memory_space<semaphore_mem>>)
      %dma_wait3A_295 = tpu.memref_slice %arg3[%mul3A_127] : memref<640000xi32, #tpu.memory_space<hbm>> -> memref<10000xi32, #tpu.memory_space<hbm>>
      %dma_wait3A_296 = tpu.memref_slice %arg3[%mul3A_127] : memref<640000xi32, #tpu.memory_space<hbm>> -> memref<10000xi32, #tpu.memory_space<hbm>>
      tpu.wait_dma2 semaphore(%run_scoped3A : memref<!tpu.dma_semaphore, #tpu.memory_space<semaphore_mem>>) src(%dma_wait3A_296 : memref<10000xi32, #tpu.memory_space<hbm>>) dst(%arg10 : memref<10000xi32, #tpu.memory_space<vmem>>)
      tpu.yield
    }) : () -> ()
    %mul3A_128 = arith.constant 10000 : i32
    %mul3A_129 = arith.muli %add3A, %mul3A_128 : i32
    %add3A_130 = arith.constant 320000 : i32
    %add3A_131 = arith.addi %add3A_130, %mul3A_129 : i32
    "tpu.region"() ({
      %run_scoped3A = tpu.sem_alloc : memref<!tpu.dma_semaphore, #tpu.memory_space<semaphore_mem>>
      %dma_start3A_293 = tpu.memref_slice %arg3[%add3A_131] : memref<640000xi32, #tpu.memory_space<hbm>> -> memref<10000xi32, #tpu.memory_space<hbm>>
      %dma_start3A_294 = tpu.memref_slice %arg3[%add3A_131] : memref<640000xi32, #tpu.memory_space<hbm>> -> memref<10000xi32, #tpu.memory_space<hbm>>
      tpu.enqueue_dma source(%dma_start3A_294 : memref<10000xi32, #tpu.memory_space<hbm>>) target(%arg11 : memref<10000xi32, #tpu.memory_space<vmem>>) target_semaphore(%run_scoped3A : memref<!tpu.dma_semaphore, #tpu.memory_space<semaphore_mem>>)
      %dma_wait3A_295 = tpu.memref_slice %arg3[%add3A_131] : memref<640000xi32, #tpu.memory_space<hbm>> -> memref<10000xi32, #tpu.memory_space<hbm>>
      %dma_wait3A_296 = tpu.memref_slice %arg3[%add3A_131] : memref<640000xi32, #tpu.memory_space<hbm>> -> memref<10000xi32, #tpu.memory_space<hbm>>
      tpu.wait_dma2 semaphore(%run_scoped3A : memref<!tpu.dma_semaphore, #tpu.memory_space<semaphore_mem>>) src(%dma_wait3A_296 : memref<10000xi32, #tpu.memory_space<hbm>>) dst(%arg11 : memref<10000xi32, #tpu.memory_space<vmem>>)
      tpu.yield
    }) : () -> ()
    %dma_start3A = arith.constant 0 : i32
    %dma_start3A_132 = arith.constant 0 : i32
    %dma_start3A_133 = arith.constant 0 : i32
    %dma_start3A_134 = tpu.memref_slice %arg12[%dma_start3A, %dma_start3A_132, %dma_start3A_133] : memref<8x80x16xf32, #tpu.memory_space<vmem>> -> memref<1x80x16xf32, #tpu.memory_space<vmem>>
    %dma_start3A_135 = tpu.memref_squeeze %dma_start3A_134 : memref<1x80x16xf32, #tpu.memory_space<vmem>> -> memref<80x16xf32, #tpu.memory_space<vmem>>
    %dma_start3A_136 = arith.constant 0 : i32
    %dma_start3A_137 = tpu.memref_slice %arg10[%dma_start3A_136] : memref<10000xi32, #tpu.memory_space<vmem>> -> memref<80xi32, #tpu.memory_space<vmem>>
    %dma_start3A_138 = arith.constant 0 : i32
    %dma_start3A_139 = arith.constant 0 : i32
    %dma_start3A_140 = tpu.memref_slice %arg6[%dma_start3A_138, %dma_start3A_139] : memref<10240x16xf32, #tpu.memory_space<vmem_shared>> -> memref<10240x16xf32, #tpu.memory_space<vmem_shared>>
    tpu.enqueue_indirect_dma source(%dma_start3A_140 : memref<10240x16xf32, #tpu.memory_space<vmem_shared>>) target(%dma_start3A_135 : memref<80x16xf32, #tpu.memory_space<vmem>>) offsets(%dma_start3A_137 : memref<80xi32, #tpu.memory_space<vmem>>) semaphore(%arg16 : memref<!tpu.dma_semaphore, #tpu.memory_space<semaphore_mem>>)
    %dma_start3A_141 = arith.constant 1 : i32
    %dma_start3A_142 = arith.constant 0 : i32
    %dma_start3A_143 = arith.constant 0 : i32
    %dma_start3A_144 = tpu.memref_slice %arg12[%dma_start3A_141, %dma_start3A_142, %dma_start3A_143] : memref<8x80x16xf32, #tpu.memory_space<vmem>> -> memref<1x80x16xf32, #tpu.memory_space<vmem>>
    %dma_start3A_145 = tpu.memref_squeeze %dma_start3A_144 : memref<1x80x16xf32, #tpu.memory_space<vmem>> -> memref<80x16xf32, #tpu.memory_space<vmem>>
    %dma_start3A_146 = arith.constant 80 : i32
    %dma_start3A_147 = tpu.memref_slice %arg10[%dma_start3A_146] : memref<10000xi32, #tpu.memory_space<vmem>> -> memref<80xi32, #tpu.memory_space<vmem>>
    %dma_start3A_148 = arith.constant 0 : i32
    %dma_start3A_149 = arith.constant 0 : i32
    %dma_start3A_150 = tpu.memref_slice %arg6[%dma_start3A_148, %dma_start3A_149] : memref<10240x16xf32, #tpu.memory_space<vmem_shared>> -> memref<10240x16xf32, #tpu.memory_space<vmem_shared>>
    tpu.enqueue_indirect_dma source(%dma_start3A_150 : memref<10240x16xf32, #tpu.memory_space<vmem_shared>>) target(%dma_start3A_145 : memref<80x16xf32, #tpu.memory_space<vmem>>) offsets(%dma_start3A_147 : memref<80xi32, #tpu.memory_space<vmem>>) semaphore(%arg16 : memref<!tpu.dma_semaphore, #tpu.memory_space<semaphore_mem>>)
    %dma_start3A_151 = arith.constant 2 : i32
    %dma_start3A_152 = arith.constant 0 : i32
    %dma_start3A_153 = arith.constant 0 : i32
    %dma_start3A_154 = tpu.memref_slice %arg12[%dma_start3A_151, %dma_start3A_152, %dma_start3A_153] : memref<8x80x16xf32, #tpu.memory_space<vmem>> -> memref<1x80x16xf32, #tpu.memory_space<vmem>>
    %dma_start3A_155 = tpu.memref_squeeze %dma_start3A_154 : memref<1x80x16xf32, #tpu.memory_space<vmem>> -> memref<80x16xf32, #tpu.memory_space<vmem>>
    %dma_start3A_156 = arith.constant 160 : i32
    %dma_start3A_157 = tpu.memref_slice %arg10[%dma_start3A_156] : memref<10000xi32, #tpu.memory_space<vmem>> -> memref<80xi32, #tpu.memory_space<vmem>>
    %dma_start3A_158 = arith.constant 0 : i32
    %dma_start3A_159 = arith.constant 0 : i32
    %dma_start3A_160 = tpu.memref_slice %arg6[%dma_start3A_158, %dma_start3A_159] : memref<10240x16xf32, #tpu.memory_space<vmem_shared>> -> memref<10240x16xf32, #tpu.memory_space<vmem_shared>>
    tpu.enqueue_indirect_dma source(%dma_start3A_160 : memref<10240x16xf32, #tpu.memory_space<vmem_shared>>) target(%dma_start3A_155 : memref<80x16xf32, #tpu.memory_space<vmem>>) offsets(%dma_start3A_157 : memref<80xi32, #tpu.memory_space<vmem>>) semaphore(%arg16 : memref<!tpu.dma_semaphore, #tpu.memory_space<semaphore_mem>>)
    %dma_start3A_161 = arith.constant 3 : i32
    %dma_start3A_162 = arith.constant 0 : i32
    %dma_start3A_163 = arith.constant 0 : i32
    %dma_start3A_164 = tpu.memref_slice %arg12[%dma_start3A_161, %dma_start3A_162, %dma_start3A_163] : memref<8x80x16xf32, #tpu.memory_space<vmem>> -> memref<1x80x16xf32, #tpu.memory_space<vmem>>
    %dma_start3A_165 = tpu.memref_squeeze %dma_start3A_164 : memref<1x80x16xf32, #tpu.memory_space<vmem>> -> memref<80x16xf32, #tpu.memory_space<vmem>>
    %dma_start3A_166 = arith.constant 240 : i32
    %dma_start3A_167 = tpu.memref_slice %arg10[%dma_start3A_166] : memref<10000xi32, #tpu.memory_space<vmem>> -> memref<80xi32, #tpu.memory_space<vmem>>
    %dma_start3A_168 = arith.constant 0 : i32
    %dma_start3A_169 = arith.constant 0 : i32
    %dma_start3A_170 = tpu.memref_slice %arg6[%dma_start3A_168, %dma_start3A_169] : memref<10240x16xf32, #tpu.memory_space<vmem_shared>> -> memref<10240x16xf32, #tpu.memory_space<vmem_shared>>
    tpu.enqueue_indirect_dma source(%dma_start3A_170 : memref<10240x16xf32, #tpu.memory_space<vmem_shared>>) target(%dma_start3A_165 : memref<80x16xf32, #tpu.memory_space<vmem>>) offsets(%dma_start3A_167 : memref<80xi32, #tpu.memory_space<vmem>>) semaphore(%arg16 : memref<!tpu.dma_semaphore, #tpu.memory_space<semaphore_mem>>)
    %dma_start3A_171 = arith.constant 4 : i32
    %dma_start3A_172 = arith.constant 0 : i32
    %dma_start3A_173 = arith.constant 0 : i32
    %dma_start3A_174 = tpu.memref_slice %arg12[%dma_start3A_171, %dma_start3A_172, %dma_start3A_173] : memref<8x80x16xf32, #tpu.memory_space<vmem>> -> memref<1x80x16xf32, #tpu.memory_space<vmem>>
    %dma_start3A_175 = tpu.memref_squeeze %dma_start3A_174 : memref<1x80x16xf32, #tpu.memory_space<vmem>> -> memref<80x16xf32, #tpu.memory_space<vmem>>
    %dma_start3A_176 = arith.constant 320 : i32
    %dma_start3A_177 = tpu.memref_slice %arg10[%dma_start3A_176] : memref<10000xi32, #tpu.memory_space<vmem>> -> memref<80xi32, #tpu.memory_space<vmem>>
    %dma_start3A_178 = arith.constant 0 : i32
    %dma_start3A_179 = arith.constant 0 : i32
    %dma_start3A_180 = tpu.memref_slice %arg6[%dma_start3A_178, %dma_start3A_179] : memref<10240x16xf32, #tpu.memory_space<vmem_shared>> -> memref<10240x16xf32, #tpu.memory_space<vmem_shared>>
    tpu.enqueue_indirect_dma source(%dma_start3A_180 : memref<10240x16xf32, #tpu.memory_space<vmem_shared>>) target(%dma_start3A_175 : memref<80x16xf32, #tpu.memory_space<vmem>>) offsets(%dma_start3A_177 : memref<80xi32, #tpu.memory_space<vmem>>) semaphore(%arg16 : memref<!tpu.dma_semaphore, #tpu.memory_space<semaphore_mem>>)
    %dma_start3A_181 = arith.constant 5 : i32
    %dma_start3A_182 = arith.constant 0 : i32
    %dma_start3A_183 = arith.constant 0 : i32
    %dma_start3A_184 = tpu.memref_slice %arg12[%dma_start3A_181, %dma_start3A_182, %dma_start3A_183] : memref<8x80x16xf32, #tpu.memory_space<vmem>> -> memref<1x80x16xf32, #tpu.memory_space<vmem>>
    %dma_start3A_185 = tpu.memref_squeeze %dma_start3A_184 : memref<1x80x16xf32, #tpu.memory_space<vmem>> -> memref<80x16xf32, #tpu.memory_space<vmem>>
    %dma_start3A_186 = arith.constant 400 : i32
    %dma_start3A_187 = tpu.memref_slice %arg10[%dma_start3A_186] : memref<10000xi32, #tpu.memory_space<vmem>> -> memref<80xi32, #tpu.memory_space<vmem>>
    %dma_start3A_188 = arith.constant 0 : i32
    %dma_start3A_189 = arith.constant 0 : i32
    %dma_start3A_190 = tpu.memref_slice %arg6[%dma_start3A_188, %dma_start3A_189] : memref<10240x16xf32, #tpu.memory_space<vmem_shared>> -> memref<10240x16xf32, #tpu.memory_space<vmem_shared>>
    tpu.enqueue_indirect_dma source(%dma_start3A_190 : memref<10240x16xf32, #tpu.memory_space<vmem_shared>>) target(%dma_start3A_185 : memref<80x16xf32, #tpu.memory_space<vmem>>) offsets(%dma_start3A_187 : memref<80xi32, #tpu.memory_space<vmem>>) semaphore(%arg16 : memref<!tpu.dma_semaphore, #tpu.memory_space<semaphore_mem>>)
    %dma_start3A_191 = arith.constant 6 : i32
    %dma_start3A_192 = arith.constant 0 : i32
    %dma_start3A_193 = arith.constant 0 : i32
    %dma_start3A_194 = tpu.memref_slice %arg12[%dma_start3A_191, %dma_start3A_192, %dma_start3A_193] : memref<8x80x16xf32, #tpu.memory_space<vmem>> -> memref<1x80x16xf32, #tpu.memory_space<vmem>>
    %dma_start3A_195 = tpu.memref_squeeze %dma_start3A_194 : memref<1x80x16xf32, #tpu.memory_space<vmem>> -> memref<80x16xf32, #tpu.memory_space<vmem>>
    %dma_start3A_196 = arith.constant 480 : i32
    %dma_start3A_197 = tpu.memref_slice %arg10[%dma_start3A_196] : memref<10000xi32, #tpu.memory_space<vmem>> -> memref<80xi32, #tpu.memory_space<vmem>>
    %dma_start3A_198 = arith.constant 0 : i32
    %dma_start3A_199 = arith.constant 0 : i32
    %dma_start3A_200 = tpu.memref_slice %arg6[%dma_start3A_198, %dma_start3A_199] : memref<10240x16xf32, #tpu.memory_space<vmem_shared>> -> memref<10240x16xf32, #tpu.memory_space<vmem_shared>>
    tpu.enqueue_indirect_dma source(%dma_start3A_200 : memref<10240x16xf32, #tpu.memory_space<vmem_shared>>) target(%dma_start3A_195 : memref<80x16xf32, #tpu.memory_space<vmem>>) offsets(%dma_start3A_197 : memref<80xi32, #tpu.memory_space<vmem>>) semaphore(%arg16 : memref<!tpu.dma_semaphore, #tpu.memory_space<semaphore_mem>>)
    %scan3A_201 = arith.constant 0 : i32
    %scan3A_202 = arith.constant 0 : i32
    %scan3A_203 = arith.constant 125 : i32
    %scan3A_204 = arith.addi %scan3A_202, %scan3A_203 : i32
    %scan3A_205 = arith.constant 1 : i32
    %scan3A_206 = scf.for %scan3A_293 = %scan3A_202 to %scan3A_204 step %scan3A_205 iter_args(%scan3A_294 = %scan3A_201) -> (i32)  : i32 {
      %and3A = arith.constant 7 : i32
      %and3A_295 = arith.andi %scan3A_293, %and3A : i32
      %mul3A_296 = arith.constant 80 : i32
      %mul3A_297 = arith.muli %scan3A_293, %mul3A_296 : i32
      %dma_wait3A_298 = arith.constant 0 : i32
      %dma_wait3A_299 = arith.constant 0 : i32
      %dma_wait3A_300 = tpu.memref_slice %arg12[%and3A_295, %dma_wait3A_298, %dma_wait3A_299] : memref<8x80x16xf32, #tpu.memory_space<vmem>> -> memref<1x80x16xf32, #tpu.memory_space<vmem>>
      %dma_wait3A_301 = tpu.memref_squeeze %dma_wait3A_300 : memref<1x80x16xf32, #tpu.memory_space<vmem>> -> memref<80x16xf32, #tpu.memory_space<vmem>>
      %dma_wait3A_302 = tpu.memref_slice %arg10[%mul3A_297] : memref<10000xi32, #tpu.memory_space<vmem>> -> memref<80xi32, #tpu.memory_space<vmem>>
      %dma_wait3A_303 = arith.constant 0 : i32
      %dma_wait3A_304 = arith.constant 0 : i32
      %dma_wait3A_305 = tpu.memref_slice %arg6[%dma_wait3A_303, %dma_wait3A_304] : memref<10240x16xf32, #tpu.memory_space<vmem_shared>> -> memref<10240x16xf32, #tpu.memory_space<vmem_shared>>
      tpu.wait_indirect_dma semaphore(%arg16 : memref<!tpu.dma_semaphore, #tpu.memory_space<semaphore_mem>>) src(%dma_wait3A_305 : memref<10240x16xf32, #tpu.memory_space<vmem_shared>>) dst(%dma_wait3A_301 : memref<80x16xf32, #tpu.memory_space<vmem>>)
      %mul3A_306 = arith.constant 80 : i32
      %mul3A_307 = arith.muli %scan3A_293, %mul3A_306 : i32
      %dma_start3A_308 = arith.constant 0 : i32
      %dma_start3A_309 = arith.constant 0 : i32
      %dma_start3A_310 = tpu.memref_slice %arg12[%and3A_295, %dma_start3A_308, %dma_start3A_309] : memref<8x80x16xf32, #tpu.memory_space<vmem>> -> memref<1x80x16xf32, #tpu.memory_space<vmem>>
      %dma_start3A_311 = tpu.memref_squeeze %dma_start3A_310 : memref<1x80x16xf32, #tpu.memory_space<vmem>> -> memref<80x16xf32, #tpu.memory_space<vmem>>
      %dma_start3A_312 = tpu.memref_slice %arg11[%mul3A_307] : memref<10000xi32, #tpu.memory_space<vmem>> -> memref<80xi32, #tpu.memory_space<vmem>>
      %dma_start3A_313 = arith.constant 0 : i32
      %dma_start3A_314 = arith.constant 0 : i32
      %dma_start3A_315 = tpu.memref_slice %arg7[%dma_start3A_313, %dma_start3A_314] : memref<10240x16xf32, #tpu.memory_space<vmem_shared>> -> memref<10240x16xf32, #tpu.memory_space<vmem_shared>>
      tpu.enqueue_indirect_dma source(%dma_start3A_311 : memref<80x16xf32, #tpu.memory_space<vmem>>) target(%dma_start3A_315 : memref<10240x16xf32, #tpu.memory_space<vmem_shared>>) offsets(%dma_start3A_312 : memref<80xi32, #tpu.memory_space<vmem>>) semaphore(%arg17 : memref<!tpu.dma_semaphore, #tpu.memory_space<semaphore_mem>>) {add = true}
      %ge3A = arith.constant 1 : i32
      %ge3A_316 = arith.cmpi sge, %scan3A_293, %ge3A : i32
      %add3A_317 = arith.constant 8 : i32
      %add3A_318 = arith.addi %scan3A_293, %add3A_317 : i32
      %sub3A = arith.constant 1 : i32
      %sub3A_319 = arith.subi %add3A_318, %sub3A : i32
      %lt3A = arith.constant 125 : i32
      %lt3A_320 = arith.cmpi slt, %sub3A_319, %lt3A : i32
      %and3A_321 = arith.andi %ge3A_316, %lt3A_320 : i1
      %convert_element_type3A_322 = arith.extui %and3A_321 : i1 to i32
      %cond3A_323 = arith.constant 0 : i32
      %cond3A_324 = arith.cmpi ne, %convert_element_type3A_322, %cond3A_323 : i32
      scf.if %cond3A_324 {
        %sub3A_335 = arith.constant 1 : i32
        %sub3A_336 = arith.subi %scan3A_293, %sub3A_335 : i32
        %and3A_337 = arith.constant 7 : i32
        %and3A_338 = arith.andi %sub3A_336, %and3A_337 : i32
        %sub3A_339 = arith.constant 1 : i32
        %sub3A_340 = arith.subi %scan3A_293, %sub3A_339 : i32
        %mul3A_341 = arith.constant 80 : i32
        %mul3A_342 = arith.muli %sub3A_340, %mul3A_341 : i32
        %dma_wait3A_343 = arith.constant 0 : i32
        %dma_wait3A_344 = arith.constant 0 : i32
        %dma_wait3A_345 = tpu.memref_slice %arg12[%and3A_338, %dma_wait3A_343, %dma_wait3A_344] : memref<8x80x16xf32, #tpu.memory_space<vmem>> -> memref<1x80x16xf32, #tpu.memory_space<vmem>>
        %dma_wait3A_346 = tpu.memref_squeeze %dma_wait3A_345 : memref<1x80x16xf32, #tpu.memory_space<vmem>> -> memref<80x16xf32, #tpu.memory_space<vmem>>
        %dma_wait3A_347 = tpu.memref_slice %arg11[%mul3A_342] : memref<10000xi32, #tpu.memory_space<vmem>> -> memref<80xi32, #tpu.memory_space<vmem>>
        %dma_wait3A_348 = arith.constant 0 : i32
        %dma_wait3A_349 = arith.constant 0 : i32
        %dma_wait3A_350 = tpu.memref_slice %arg7[%dma_wait3A_348, %dma_wait3A_349] : memref<10240x16xf32, #tpu.memory_space<vmem_shared>> -> memref<10240x16xf32, #tpu.memory_space<vmem_shared>>
        tpu.wait_indirect_dma semaphore(%arg17 : memref<!tpu.dma_semaphore, #tpu.memory_space<semaphore_mem>>) src(%dma_wait3A_346 : memref<80x16xf32, #tpu.memory_space<vmem>>) dst(%dma_wait3A_350 : memref<10240x16xf32, #tpu.memory_space<vmem_shared>>)
      } else {
      }
      %add3A_325 = arith.constant 8 : i32
      %add3A_326 = arith.addi %scan3A_293, %add3A_325 : i32
      %sub3A_327 = arith.constant 1 : i32
      %sub3A_328 = arith.subi %add3A_326, %sub3A_327 : i32
      %lt3A_329 = arith.constant 125 : i32
      %lt3A_330 = arith.cmpi slt, %sub3A_328, %lt3A_329 : i32
      %convert_element_type3A_331 = arith.extui %lt3A_330 : i1 to i32
      %cond3A_332 = arith.constant 0 : i32
      %cond3A_333 = arith.cmpi ne, %convert_element_type3A_331, %cond3A_332 : i32
      scf.if %cond3A_333 {
        %add3A_335 = arith.constant 8 : i32
        %add3A_336 = arith.addi %scan3A_293, %add3A_335 : i32
        %sub3A_337 = arith.constant 1 : i32
        %sub3A_338 = arith.subi %add3A_336, %sub3A_337 : i32
        %mul3A_339 = arith.constant 80 : i32
        %mul3A_340 = arith.muli %sub3A_338, %mul3A_339 : i32
        %add3A_341 = arith.constant 8 : i32
        %add3A_342 = arith.addi %scan3A_293, %add3A_341 : i32
        %sub3A_343 = arith.constant 1 : i32
        %sub3A_344 = arith.subi %add3A_342, %sub3A_343 : i32
        %and3A_345 = arith.constant 7 : i32
        %and3A_346 = arith.andi %sub3A_344, %and3A_345 : i32
        %dma_start3A_347 = arith.constant 0 : i32
        %dma_start3A_348 = arith.constant 0 : i32
        %dma_start3A_349 = tpu.memref_slice %arg12[%and3A_346, %dma_start3A_347, %dma_start3A_348] : memref<8x80x16xf32, #tpu.memory_space<vmem>> -> memref<1x80x16xf32, #tpu.memory_space<vmem>>
        %dma_start3A_350 = tpu.memref_squeeze %dma_start3A_349 : memref<1x80x16xf32, #tpu.memory_space<vmem>> -> memref<80x16xf32, #tpu.memory_space<vmem>>
        %dma_start3A_351 = tpu.memref_slice %arg10[%mul3A_340] : memref<10000xi32, #tpu.memory_space<vmem>> -> memref<80xi32, #tpu.memory_space<vmem>>
        %dma_start3A_352 = arith.constant 0 : i32
        %dma_start3A_353 = arith.constant 0 : i32
        %dma_start3A_354 = tpu.memref_slice %arg6[%dma_start3A_352, %dma_start3A_353] : memref<10240x16xf32, #tpu.memory_space<vmem_shared>> -> memref<10240x16xf32, #tpu.memory_space<vmem_shared>>
        tpu.enqueue_indirect_dma source(%dma_start3A_354 : memref<10240x16xf32, #tpu.memory_space<vmem_shared>>) target(%dma_start3A_350 : memref<80x16xf32, #tpu.memory_space<vmem>>) offsets(%dma_start3A_351 : memref<80xi32, #tpu.memory_space<vmem>>) semaphore(%arg16 : memref<!tpu.dma_semaphore, #tpu.memory_space<semaphore_mem>>)
      } else {
      }
      %scan3A_334 = arith.constant 0 : i32
      scf.yield %scan3A_334 : i32
    }
    %scan3A_207 = arith.constant 125 : i32
    %dma_wait3A_208 = arith.constant 0 : i32
    %dma_wait3A_209 = arith.constant 0 : i32
    %dma_wait3A_210 = arith.constant 0 : i32
    %dma_wait3A_211 = tpu.memref_slice %arg12[%dma_wait3A_208, %dma_wait3A_209, %dma_wait3A_210] : memref<8x80x16xf32, #tpu.memory_space<vmem>> -> memref<1x80x16xf32, #tpu.memory_space<vmem>>
    %dma_wait3A_212 = tpu.memref_squeeze %dma_wait3A_211 : memref<1x80x16xf32, #tpu.memory_space<vmem>> -> memref<80x16xf32, #tpu.memory_space<vmem>>
    %dma_wait3A_213 = arith.constant 0 : i32
    %dma_wait3A_214 = tpu.memref_slice %arg11[%dma_wait3A_213] : memref<10000xi32, #tpu.memory_space<vmem>> -> memref<80xi32, #tpu.memory_space<vmem>>
    %dma_wait3A_215 = arith.constant 0 : i32
    %dma_wait3A_216 = arith.constant 0 : i32
    %dma_wait3A_217 = tpu.memref_slice %arg7[%dma_wait3A_215, %dma_wait3A_216] : memref<10240x16xf32, #tpu.memory_space<vmem_shared>> -> memref<10240x16xf32, #tpu.memory_space<vmem_shared>>
    tpu.wait_indirect_dma semaphore(%arg17 : memref<!tpu.dma_semaphore, #tpu.memory_space<semaphore_mem>>) src(%dma_wait3A_212 : memref<80x16xf32, #tpu.memory_space<vmem>>) dst(%dma_wait3A_217 : memref<10240x16xf32, #tpu.memory_space<vmem_shared>>)
    %dma_wait3A_218 = arith.constant 0 : i32
    %dma_wait3A_219 = arith.constant 0 : i32
    %dma_wait3A_220 = arith.constant 0 : i32
    %dma_wait3A_221 = tpu.memref_slice %arg12[%dma_wait3A_218, %dma_wait3A_219, %dma_wait3A_220] : memref<8x80x16xf32, #tpu.memory_space<vmem>> -> memref<1x80x16xf32, #tpu.memory_space<vmem>>
    %dma_wait3A_222 = tpu.memref_squeeze %dma_wait3A_221 : memref<1x80x16xf32, #tpu.memory_space<vmem>> -> memref<80x16xf32, #tpu.memory_space<vmem>>
    %dma_wait3A_223 = arith.constant 0 : i32
    %dma_wait3A_224 = tpu.memref_slice %arg11[%dma_wait3A_223] : memref<10000xi32, #tpu.memory_space<vmem>> -> memref<80xi32, #tpu.memory_space<vmem>>
    %dma_wait3A_225 = arith.constant 0 : i32
    %dma_wait3A_226 = arith.constant 0 : i32
    %dma_wait3A_227 = tpu.memref_slice %arg7[%dma_wait3A_225, %dma_wait3A_226] : memref<10240x16xf32, #tpu.memory_space<vmem_shared>> -> memref<10240x16xf32, #tpu.memory_space<vmem_shared>>
    tpu.wait_indirect_dma semaphore(%arg17 : memref<!tpu.dma_semaphore, #tpu.memory_space<semaphore_mem>>) src(%dma_wait3A_222 : memref<80x16xf32, #tpu.memory_space<vmem>>) dst(%dma_wait3A_227 : memref<10240x16xf32, #tpu.memory_space<vmem_shared>>)
    %dma_wait3A_228 = arith.constant 0 : i32
    %dma_wait3A_229 = arith.constant 0 : i32
    %dma_wait3A_230 = arith.constant 0 : i32
    %dma_wait3A_231 = tpu.memref_slice %arg12[%dma_wait3A_228, %dma_wait3A_229, %dma_wait3A_230] : memref<8x80x16xf32, #tpu.memory_space<vmem>> -> memref<1x80x16xf32, #tpu.memory_space<vmem>>
    %dma_wait3A_232 = tpu.memref_squeeze %dma_wait3A_231 : memref<1x80x16xf32, #tpu.memory_space<vmem>> -> memref<80x16xf32, #tpu.memory_space<vmem>>
    %dma_wait3A_233 = arith.constant 0 : i32
    %dma_wait3A_234 = tpu.memref_slice %arg11[%dma_wait3A_233] : memref<10000xi32, #tpu.memory_space<vmem>> -> memref<80xi32, #tpu.memory_space<vmem>>
    %dma_wait3A_235 = arith.constant 0 : i32
    %dma_wait3A_236 = arith.constant 0 : i32
    %dma_wait3A_237 = tpu.memref_slice %arg7[%dma_wait3A_235, %dma_wait3A_236] : memref<10240x16xf32, #tpu.memory_space<vmem_shared>> -> memref<10240x16xf32, #tpu.memory_space<vmem_shared>>
    tpu.wait_indirect_dma semaphore(%arg17 : memref<!tpu.dma_semaphore, #tpu.memory_space<semaphore_mem>>) src(%dma_wait3A_232 : memref<80x16xf32, #tpu.memory_space<vmem>>) dst(%dma_wait3A_237 : memref<10240x16xf32, #tpu.memory_space<vmem_shared>>)
    %dma_wait3A_238 = arith.constant 0 : i32
    %dma_wait3A_239 = arith.constant 0 : i32
    %dma_wait3A_240 = arith.constant 0 : i32
    %dma_wait3A_241 = tpu.memref_slice %arg12[%dma_wait3A_238, %dma_wait3A_239, %dma_wait3A_240] : memref<8x80x16xf32, #tpu.memory_space<vmem>> -> memref<1x80x16xf32, #tpu.memory_space<vmem>>
    %dma_wait3A_242 = tpu.memref_squeeze %dma_wait3A_241 : memref<1x80x16xf32, #tpu.memory_space<vmem>> -> memref<80x16xf32, #tpu.memory_space<vmem>>
    %dma_wait3A_243 = arith.constant 0 : i32
    %dma_wait3A_244 = tpu.memref_slice %arg11[%dma_wait3A_243] : memref<10000xi32, #tpu.memory_space<vmem>> -> memref<80xi32, #tpu.memory_space<vmem>>
    %dma_wait3A_245 = arith.constant 0 : i32
    %dma_wait3A_246 = arith.constant 0 : i32
    %dma_wait3A_247 = tpu.memref_slice %arg7[%dma_wait3A_245, %dma_wait3A_246] : memref<10240x16xf32, #tpu.memory_space<vmem_shared>> -> memref<10240x16xf32, #tpu.memory_space<vmem_shared>>
    tpu.wait_indirect_dma semaphore(%arg17 : memref<!tpu.dma_semaphore, #tpu.memory_space<semaphore_mem>>) src(%dma_wait3A_242 : memref<80x16xf32, #tpu.memory_space<vmem>>) dst(%dma_wait3A_247 : memref<10240x16xf32, #tpu.memory_space<vmem_shared>>)
    %dma_wait3A_248 = arith.constant 0 : i32
    %dma_wait3A_249 = arith.constant 0 : i32
    %dma_wait3A_250 = arith.constant 0 : i32
    %dma_wait3A_251 = tpu.memref_slice %arg12[%dma_wait3A_248, %dma_wait3A_249, %dma_wait3A_250] : memref<8x80x16xf32, #tpu.memory_space<vmem>> -> memref<1x80x16xf32, #tpu.memory_space<vmem>>
    %dma_wait3A_252 = tpu.memref_squeeze %dma_wait3A_251 : memref<1x80x16xf32, #tpu.memory_space<vmem>> -> memref<80x16xf32, #tpu.memory_space<vmem>>
    %dma_wait3A_253 = arith.constant 0 : i32
    %dma_wait3A_254 = tpu.memref_slice %arg11[%dma_wait3A_253] : memref<10000xi32, #tpu.memory_space<vmem>> -> memref<80xi32, #tpu.memory_space<vmem>>
    %dma_wait3A_255 = arith.constant 0 : i32
    %dma_wait3A_256 = arith.constant 0 : i32
    %dma_wait3A_257 = tpu.memref_slice %arg7[%dma_wait3A_255, %dma_wait3A_256] : memref<10240x16xf32, #tpu.memory_space<vmem_shared>> -> memref<10240x16xf32, #tpu.memory_space<vmem_shared>>
    tpu.wait_indirect_dma semaphore(%arg17 : memref<!tpu.dma_semaphore, #tpu.memory_space<semaphore_mem>>) src(%dma_wait3A_252 : memref<80x16xf32, #tpu.memory_space<vmem>>) dst(%dma_wait3A_257 : memref<10240x16xf32, #tpu.memory_space<vmem_shared>>)
    %dma_wait3A_258 = arith.constant 0 : i32
    %dma_wait3A_259 = arith.constant 0 : i32
    %dma_wait3A_260 = arith.constant 0 : i32
    %dma_wait3A_261 = tpu.memref_slice %arg12[%dma_wait3A_258, %dma_wait3A_259, %dma_wait3A_260] : memref<8x80x16xf32, #tpu.memory_space<vmem>> -> memref<1x80x16xf32, #tpu.memory_space<vmem>>
    %dma_wait3A_262 = tpu.memref_squeeze %dma_wait3A_261 : memref<1x80x16xf32, #tpu.memory_space<vmem>> -> memref<80x16xf32, #tpu.memory_space<vmem>>
    %dma_wait3A_263 = arith.constant 0 : i32
    %dma_wait3A_264 = tpu.memref_slice %arg11[%dma_wait3A_263] : memref<10000xi32, #tpu.memory_space<vmem>> -> memref<80xi32, #tpu.memory_space<vmem>>
    %dma_wait3A_265 = arith.constant 0 : i32
    %dma_wait3A_266 = arith.constant 0 : i32
    %dma_wait3A_267 = tpu.memref_slice %arg7[%dma_wait3A_265, %dma_wait3A_266] : memref<10240x16xf32, #tpu.memory_space<vmem_shared>> -> memref<10240x16xf32, #tpu.memory_space<vmem_shared>>
    tpu.wait_indirect_dma semaphore(%arg17 : memref<!tpu.dma_semaphore, #tpu.memory_space<semaphore_mem>>) src(%dma_wait3A_262 : memref<80x16xf32, #tpu.memory_space<vmem>>) dst(%dma_wait3A_267 : memref<10240x16xf32, #tpu.memory_space<vmem_shared>>)
    %dma_wait3A_268 = arith.constant 0 : i32
    %dma_wait3A_269 = arith.constant 0 : i32
    %dma_wait3A_270 = arith.constant 0 : i32
    %dma_wait3A_271 = tpu.memref_slice %arg12[%dma_wait3A_268, %dma_wait3A_269, %dma_wait3A_270] : memref<8x80x16xf32, #tpu.memory_space<vmem>> -> memref<1x80x16xf32, #tpu.memory_space<vmem>>
    %dma_wait3A_272 = tpu.memref_squeeze %dma_wait3A_271 : memref<1x80x16xf32, #tpu.memory_space<vmem>> -> memref<80x16xf32, #tpu.memory_space<vmem>>
    %dma_wait3A_273 = arith.constant 0 : i32
    %dma_wait3A_274 = tpu.memref_slice %arg11[%dma_wait3A_273] : memref<10000xi32, #tpu.memory_space<vmem>> -> memref<80xi32, #tpu.memory_space<vmem>>
    %dma_wait3A_275 = arith.constant 0 : i32
    %dma_wait3A_276 = arith.constant 0 : i32
    %dma_wait3A_277 = tpu.memref_slice %arg7[%dma_wait3A_275, %dma_wait3A_276] : memref<10240x16xf32, #tpu.memory_space<vmem_shared>> -> memref<10240x16xf32, #tpu.memory_space<vmem_shared>>
    tpu.wait_indirect_dma semaphore(%arg17 : memref<!tpu.dma_semaphore, #tpu.memory_space<semaphore_mem>>) src(%dma_wait3A_272 : memref<80x16xf32, #tpu.memory_space<vmem>>) dst(%dma_wait3A_277 : memref<10240x16xf32, #tpu.memory_space<vmem_shared>>)
    %dma_wait3A_278 = arith.constant 0 : i32
    %dma_wait3A_279 = arith.constant 0 : i32
    %dma_wait3A_280 = arith.constant 0 : i32
    %dma_wait3A_281 = tpu.memref_slice %arg12[%dma_wait3A_278, %dma_wait3A_279, %dma_wait3A_280] : memref<8x80x16xf32, #tpu.memory_space<vmem>> -> memref<1x80x16xf32, #tpu.memory_space<vmem>>
    %dma_wait3A_282 = tpu.memref_squeeze %dma_wait3A_281 : memref<1x80x16xf32, #tpu.memory_space<vmem>> -> memref<80x16xf32, #tpu.memory_space<vmem>>
    %dma_wait3A_283 = arith.constant 0 : i32
    %dma_wait3A_284 = tpu.memref_slice %arg11[%dma_wait3A_283] : memref<10000xi32, #tpu.memory_space<vmem>> -> memref<80xi32, #tpu.memory_space<vmem>>
    %dma_wait3A_285 = arith.constant 0 : i32
    %dma_wait3A_286 = arith.constant 0 : i32
    %dma_wait3A_287 = tpu.memref_slice %arg7[%dma_wait3A_285, %dma_wait3A_286] : memref<10240x16xf32, #tpu.memory_space<vmem_shared>> -> memref<10240x16xf32, #tpu.memory_space<vmem_shared>>
    tpu.wait_indirect_dma semaphore(%arg17 : memref<!tpu.dma_semaphore, #tpu.memory_space<semaphore_mem>>) src(%dma_wait3A_282 : memref<80x16xf32, #tpu.memory_space<vmem>>) dst(%dma_wait3A_287 : memref<10240x16xf32, #tpu.memory_space<vmem_shared>>)
    %barrier3A_288 = arith.constant 0 : index
    tpu.barrier barrier_id(%barrier3A_288)
    %mul3A_289 = arith.constant 640 : i32
    %mul3A_290 = arith.muli %arg1, %mul3A_289 : i32
    "tpu.region"() ({
      %run_scoped3A = tpu.sem_alloc : memref<!tpu.dma_semaphore, #tpu.memory_space<semaphore_mem>>
      %dma_start3A_293 = arith.constant 0 : i32
      %dma_start3A_294 = tpu.memref_slice %arg7[%mul3A_290, %dma_start3A_293] : memref<10240x16xf32, #tpu.memory_space<vmem_shared>> -> memref<640x16xf32, #tpu.memory_space<vmem_shared>>
      %dma_start3A_295 = arith.constant 0 : i32
      %dma_start3A_296 = tpu.memref_slice %arg7[%mul3A_290, %dma_start3A_295] : memref<10240x16xf32, #tpu.memory_space<vmem_shared>> -> memref<640x16xf32, #tpu.memory_space<vmem_shared>>
      tpu.enqueue_dma source(%dma_start3A_296 : memref<640x16xf32, #tpu.memory_space<vmem_shared>>) target(%arg13 : memref<640x16xf32, #tpu.memory_space<vmem>>) target_semaphore(%run_scoped3A : memref<!tpu.dma_semaphore, #tpu.memory_space<semaphore_mem>>)
      %dma_wait3A_297 = arith.constant 0 : i32
      %dma_wait3A_298 = tpu.memref_slice %arg7[%mul3A_290, %dma_wait3A_297] : memref<10240x16xf32, #tpu.memory_space<vmem_shared>> -> memref<640x16xf32, #tpu.memory_space<vmem_shared>>
      %dma_wait3A_299 = arith.constant 0 : i32
      %dma_wait3A_300 = tpu.memref_slice %arg7[%mul3A_290, %dma_wait3A_299] : memref<10240x16xf32, #tpu.memory_space<vmem_shared>> -> memref<640x16xf32, #tpu.memory_space<vmem_shared>>
      tpu.wait_dma2 semaphore(%run_scoped3A : memref<!tpu.dma_semaphore, #tpu.memory_space<semaphore_mem>>) src(%dma_wait3A_300 : memref<640x16xf32, #tpu.memory_space<vmem_shared>>) dst(%arg13 : memref<640x16xf32, #tpu.memory_space<vmem>>)
      tpu.yield
    }) : () -> ()
    %mul3A_291 = arith.constant 640 : i32
    %mul3A_292 = arith.muli %arg1, %mul3A_291 : i32
    "tpu.region"() ({
      %run_scoped3A = tpu.sem_alloc : memref<!tpu.dma_semaphore, #tpu.memory_space<semaphore_mem>>
      %dma_start3A_293 = arith.constant 0 : i32
      %dma_start3A_294 = tpu.memref_slice %arg4[%arg0, %mul3A_292, %dma_start3A_293] : memref<2x10240x16xf32, #tpu.memory_space<hbm>> -> memref<1x640x16xf32, #tpu.memory_space<hbm>>
      %dma_start3A_295 = tpu.memref_squeeze %dma_start3A_294 : memref<1x640x16xf32, #tpu.memory_space<hbm>> -> memref<640x16xf32, #tpu.memory_space<hbm>>
      %dma_start3A_296 = arith.constant 0 : i32
      %dma_start3A_297 = tpu.memref_slice %arg4[%arg0, %mul3A_292, %dma_start3A_296] : memref<2x10240x16xf32, #tpu.memory_space<hbm>> -> memref<1x640x16xf32, #tpu.memory_space<hbm>>
      %dma_start3A_298 = tpu.memref_squeeze %dma_start3A_297 : memref<1x640x16xf32, #tpu.memory_space<hbm>> -> memref<640x16xf32, #tpu.memory_space<hbm>>
      tpu.enqueue_dma source(%arg13 : memref<640x16xf32, #tpu.memory_space<vmem>>) target(%dma_start3A_298 : memref<640x16xf32, #tpu.memory_space<hbm>>) target_semaphore(%run_scoped3A : memref<!tpu.dma_semaphore, #tpu.memory_space<semaphore_mem>>)
      %dma_wait3A_299 = arith.constant 0 : i32
      %dma_wait3A_300 = tpu.memref_slice %arg4[%arg0, %mul3A_292, %dma_wait3A_299] : memref<2x10240x16xf32, #tpu.memory_space<hbm>> -> memref<1x640x16xf32, #tpu.memory_space<hbm>>
      %dma_wait3A_301 = tpu.memref_squeeze %dma_wait3A_300 : memref<1x640x16xf32, #tpu.memory_space<hbm>> -> memref<640x16xf32, #tpu.memory_space<hbm>>
      %dma_wait3A_302 = arith.constant 0 : i32
      %dma_wait3A_303 = tpu.memref_slice %arg4[%arg0, %mul3A_292, %dma_wait3A_302] : memref<2x10240x16xf32, #tpu.memory_space<hbm>> -> memref<1x640x16xf32, #tpu.memory_space<hbm>>
      %dma_wait3A_304 = tpu.memref_squeeze %dma_wait3A_303 : memref<1x640x16xf32, #tpu.memory_space<hbm>> -> memref<640x16xf32, #tpu.memory_space<hbm>>
      tpu.wait_dma2 semaphore(%run_scoped3A : memref<!tpu.dma_semaphore, #tpu.memory_space<semaphore_mem>>) src(%arg13 : memref<640x16xf32, #tpu.memory_space<vmem>>) dst(%dma_wait3A_304 : memref<640x16xf32, #tpu.memory_space<hbm>>)
      tpu.yield
    }) : () -> ()
    return
  }
}

#map = affine_map<(d0, d1) -> (0, 0)>
#map1 = affine_map<(d0, d1) -> (0)>
#map2 = affine_map<(d0, d1) -> (0, 0, 0)>
module attributes {stable_mosaic.version = 14 : i64} {
  func.func @scatter(%arg0: i32, %arg1: i32, %arg2: memref<10240x48xf32, #tpu.memory_space<hbm>>, %arg3: memref<640000xi32, #tpu.memory_space<hbm>>, %arg4: memref<2x10240x48xf32, #tpu.memory_space<hbm>>, %arg5: memref<10240x48xf32, #tpu.memory_space<vmem_shared>>, %arg6: memref<10000xi32, #tpu.memory_space<vmem>>, %arg7: memref<10000xi32, #tpu.memory_space<vmem>>, %arg8: memref<8x80x48xf32, #tpu.memory_space<vmem>>, %arg9: memref<640x48xf32, #tpu.memory_space<vmem>>, %arg10: memref<!tpu.dma_semaphore, #tpu.memory_space<semaphore_mem>>, %arg11: memref<!tpu.dma_semaphore, #tpu.memory_space<semaphore_mem>>) attributes {dimension_semantics = [#tpu.dimension_semantics<core_parallel>, #tpu.dimension_semantics<subcore_parallel>], iteration_bounds = array<i64: 2, 16>, scalar_prefetch = 0 : i64, scratch_operands = 7 : i64, tpu.core_type = #tpu.core_type<sc_vector_subcore>, window_params = [{transform_indices = #map}, {transform_indices = #map1}, {transform_indices = #map2}]} {
    %mul3A = arith.constant 2 : i32
    %mul3A_0 = arith.muli %arg1, %mul3A : i32
    %add3A = arith.addi %mul3A_0, %arg0 : i32
    %broadcast_in_dim3A = arith.constant 0.000000e+00 : f32
    %broadcast_in_dim3A_1 = vector.broadcast %broadcast_in_dim3A : f32 to vector<16xf32>
    %scan3A = arith.constant 0 : i32
    %scan3A_2 = arith.constant 0 : i32
    %scan3A_3 = arith.constant 640 : i32
    %scan3A_4 = arith.addi %scan3A_2, %scan3A_3 : i32
    %scan3A_5 = arith.constant 1 : i32
    %scan3A_6 = scf.for %scan3A_176 = %scan3A_2 to %scan3A_4 step %scan3A_5 iter_args(%scan3A_177 = %scan3A) -> (i32)  : i32 {
      %swap3A = arith.index_cast %scan3A_176 : i32 to index
      %swap3A_178 = arith.constant 0 : index
      %swap3A_179 = tpu.vector_load %arg9[%swap3A, %swap3A_178] {strides = array<i32>} : memref<640x48xf32, #tpu.memory_space<vmem>>, vector<16xf32>,
      tpu.vector_store %arg9[%swap3A, %swap3A_178], %broadcast_in_dim3A_1 {strides = array<i32>} : memref<640x48xf32, #tpu.memory_space<vmem>>, vector<16xf32>,
      %swap3A_180 = arith.index_cast %scan3A_176 : i32 to index
      %swap3A_181 = arith.constant 16 : index
      %swap3A_182 = tpu.vector_load %arg9[%swap3A_180, %swap3A_181] {strides = array<i32>} : memref<640x48xf32, #tpu.memory_space<vmem>>, vector<16xf32>,
      tpu.vector_store %arg9[%swap3A_180, %swap3A_181], %broadcast_in_dim3A_1 {strides = array<i32>} : memref<640x48xf32, #tpu.memory_space<vmem>>, vector<16xf32>,
      %swap3A_183 = arith.index_cast %scan3A_176 : i32 to index
      %swap3A_184 = arith.constant 32 : index
      %swap3A_185 = tpu.vector_load %arg9[%swap3A_183, %swap3A_184] {strides = array<i32>} : memref<640x48xf32, #tpu.memory_space<vmem>>, vector<16xf32>,
      tpu.vector_store %arg9[%swap3A_183, %swap3A_184], %broadcast_in_dim3A_1 {strides = array<i32>} : memref<640x48xf32, #tpu.memory_space<vmem>>, vector<16xf32>,
      %scan3A_186 = arith.constant 0 : i32
      scf.yield %scan3A_186 : i32
    }
    %scan3A_7 = arith.constant 640 : i32
    %mul3A_8 = arith.constant 640 : i32
    %mul3A_9 = arith.muli %arg1, %mul3A_8 : i32
    "tpu.region"() ({
      %run_scoped3A = tpu.sem_alloc : memref<!tpu.dma_semaphore, #tpu.memory_space<semaphore_mem>>
      %dma_start3A_176 = arith.constant 0 : i32
      %dma_start3A_177 = tpu.memref_slice %arg5[%mul3A_9, %dma_start3A_176] : memref<10240x48xf32, #tpu.memory_space<vmem_shared>> -> memref<640x48xf32, #tpu.memory_space<vmem_shared>>
      %dma_start3A_178 = arith.constant 0 : i32
      %dma_start3A_179 = tpu.memref_slice %arg5[%mul3A_9, %dma_start3A_178] : memref<10240x48xf32, #tpu.memory_space<vmem_shared>> -> memref<640x48xf32, #tpu.memory_space<vmem_shared>>
      tpu.enqueue_dma source(%arg9 : memref<640x48xf32, #tpu.memory_space<vmem>>) target(%dma_start3A_179 : memref<640x48xf32, #tpu.memory_space<vmem_shared>>) target_semaphore(%run_scoped3A : memref<!tpu.dma_semaphore, #tpu.memory_space<semaphore_mem>>)
      %dma_wait3A_180 = arith.constant 0 : i32
      %dma_wait3A_181 = tpu.memref_slice %arg5[%mul3A_9, %dma_wait3A_180] : memref<10240x48xf32, #tpu.memory_space<vmem_shared>> -> memref<640x48xf32, #tpu.memory_space<vmem_shared>>
      %dma_wait3A_182 = arith.constant 0 : i32
      %dma_wait3A_183 = tpu.memref_slice %arg5[%mul3A_9, %dma_wait3A_182] : memref<10240x48xf32, #tpu.memory_space<vmem_shared>> -> memref<640x48xf32, #tpu.memory_space<vmem_shared>>
      tpu.wait_dma2 semaphore(%run_scoped3A : memref<!tpu.dma_semaphore, #tpu.memory_space<semaphore_mem>>) src(%arg9 : memref<640x48xf32, #tpu.memory_space<vmem>>) dst(%dma_wait3A_183 : memref<640x48xf32, #tpu.memory_space<vmem_shared>>)
      tpu.yield
    }) : () -> ()
    %barrier3A = arith.constant 0 : index
    tpu.barrier barrier_id(%barrier3A)
    %mul3A_10 = arith.constant 10000 : i32
    %mul3A_11 = arith.muli %add3A, %mul3A_10 : i32
    "tpu.region"() ({
      %run_scoped3A = tpu.sem_alloc : memref<!tpu.dma_semaphore, #tpu.memory_space<semaphore_mem>>
      %dma_start3A_176 = tpu.memref_slice %arg3[%mul3A_11] : memref<640000xi32, #tpu.memory_space<hbm>> -> memref<10000xi32, #tpu.memory_space<hbm>>
      %dma_start3A_177 = tpu.memref_slice %arg3[%mul3A_11] : memref<640000xi32, #tpu.memory_space<hbm>> -> memref<10000xi32, #tpu.memory_space<hbm>>
      tpu.enqueue_dma source(%dma_start3A_177 : memref<10000xi32, #tpu.memory_space<hbm>>) target(%arg6 : memref<10000xi32, #tpu.memory_space<vmem>>) target_semaphore(%run_scoped3A : memref<!tpu.dma_semaphore, #tpu.memory_space<semaphore_mem>>)
      %dma_wait3A_178 = tpu.memref_slice %arg3[%mul3A_11] : memref<640000xi32, #tpu.memory_space<hbm>> -> memref<10000xi32, #tpu.memory_space<hbm>>
      %dma_wait3A_179 = tpu.memref_slice %arg3[%mul3A_11] : memref<640000xi32, #tpu.memory_space<hbm>> -> memref<10000xi32, #tpu.memory_space<hbm>>
      tpu.wait_dma2 semaphore(%run_scoped3A : memref<!tpu.dma_semaphore, #tpu.memory_space<semaphore_mem>>) src(%dma_wait3A_179 : memref<10000xi32, #tpu.memory_space<hbm>>) dst(%arg6 : memref<10000xi32, #tpu.memory_space<vmem>>)
      tpu.yield
    }) : () -> ()
    %mul3A_12 = arith.constant 10000 : i32
    %mul3A_13 = arith.muli %add3A, %mul3A_12 : i32
    %add3A_14 = arith.constant 320000 : i32
    %add3A_15 = arith.addi %add3A_14, %mul3A_13 : i32
    "tpu.region"() ({
      %run_scoped3A = tpu.sem_alloc : memref<!tpu.dma_semaphore, #tpu.memory_space<semaphore_mem>>
      %dma_start3A_176 = tpu.memref_slice %arg3[%add3A_15] : memref<640000xi32, #tpu.memory_space<hbm>> -> memref<10000xi32, #tpu.memory_space<hbm>>
      %dma_start3A_177 = tpu.memref_slice %arg3[%add3A_15] : memref<640000xi32, #tpu.memory_space<hbm>> -> memref<10000xi32, #tpu.memory_space<hbm>>
      tpu.enqueue_dma source(%dma_start3A_177 : memref<10000xi32, #tpu.memory_space<hbm>>) target(%arg7 : memref<10000xi32, #tpu.memory_space<vmem>>) target_semaphore(%run_scoped3A : memref<!tpu.dma_semaphore, #tpu.memory_space<semaphore_mem>>)
      %dma_wait3A_178 = tpu.memref_slice %arg3[%add3A_15] : memref<640000xi32, #tpu.memory_space<hbm>> -> memref<10000xi32, #tpu.memory_space<hbm>>
      %dma_wait3A_179 = tpu.memref_slice %arg3[%add3A_15] : memref<640000xi32, #tpu.memory_space<hbm>> -> memref<10000xi32, #tpu.memory_space<hbm>>
      tpu.wait_dma2 semaphore(%run_scoped3A : memref<!tpu.dma_semaphore, #tpu.memory_space<semaphore_mem>>) src(%dma_wait3A_179 : memref<10000xi32, #tpu.memory_space<hbm>>) dst(%arg7 : memref<10000xi32, #tpu.memory_space<vmem>>)
      tpu.yield
    }) : () -> ()
    %dma_start3A = arith.constant 0 : i32
    %dma_start3A_16 = arith.constant 0 : i32
    %dma_start3A_17 = arith.constant 0 : i32
    %dma_start3A_18 = tpu.memref_slice %arg8[%dma_start3A, %dma_start3A_16, %dma_start3A_17] : memref<8x80x48xf32, #tpu.memory_space<vmem>> -> memref<1x80x48xf32, #tpu.memory_space<vmem>>
    %dma_start3A_19 = tpu.memref_squeeze %dma_start3A_18 : memref<1x80x48xf32, #tpu.memory_space<vmem>> -> memref<80x48xf32, #tpu.memory_space<vmem>>
    %dma_start3A_20 = arith.constant 0 : i32
    %dma_start3A_21 = tpu.memref_slice %arg6[%dma_start3A_20] : memref<10000xi32, #tpu.memory_space<vmem>> -> memref<80xi32, #tpu.memory_space<vmem>>
    %dma_start3A_22 = arith.constant 0 : i32
    %dma_start3A_23 = arith.constant 0 : i32
    %dma_start3A_24 = tpu.memref_slice %arg2[%dma_start3A_22, %dma_start3A_23] : memref<10240x48xf32, #tpu.memory_space<hbm>> -> memref<10240x48xf32, #tpu.memory_space<hbm>>
    tpu.enqueue_indirect_dma source(%dma_start3A_24 : memref<10240x48xf32, #tpu.memory_space<hbm>>) target(%dma_start3A_19 : memref<80x48xf32, #tpu.memory_space<vmem>>) offsets(%dma_start3A_21 : memref<80xi32, #tpu.memory_space<vmem>>) semaphore(%arg10 : memref<!tpu.dma_semaphore, #tpu.memory_space<semaphore_mem>>)
    %dma_start3A_25 = arith.constant 1 : i32
    %dma_start3A_26 = arith.constant 0 : i32
    %dma_start3A_27 = arith.constant 0 : i32
    %dma_start3A_28 = tpu.memref_slice %arg8[%dma_start3A_25, %dma_start3A_26, %dma_start3A_27] : memref<8x80x48xf32, #tpu.memory_space<vmem>> -> memref<1x80x48xf32, #tpu.memory_space<vmem>>
    %dma_start3A_29 = tpu.memref_squeeze %dma_start3A_28 : memref<1x80x48xf32, #tpu.memory_space<vmem>> -> memref<80x48xf32, #tpu.memory_space<vmem>>
    %dma_start3A_30 = arith.constant 80 : i32
    %dma_start3A_31 = tpu.memref_slice %arg6[%dma_start3A_30] : memref<10000xi32, #tpu.memory_space<vmem>> -> memref<80xi32, #tpu.memory_space<vmem>>
    %dma_start3A_32 = arith.constant 0 : i32
    %dma_start3A_33 = arith.constant 0 : i32
    %dma_start3A_34 = tpu.memref_slice %arg2[%dma_start3A_32, %dma_start3A_33] : memref<10240x48xf32, #tpu.memory_space<hbm>> -> memref<10240x48xf32, #tpu.memory_space<hbm>>
    tpu.enqueue_indirect_dma source(%dma_start3A_34 : memref<10240x48xf32, #tpu.memory_space<hbm>>) target(%dma_start3A_29 : memref<80x48xf32, #tpu.memory_space<vmem>>) offsets(%dma_start3A_31 : memref<80xi32, #tpu.memory_space<vmem>>) semaphore(%arg10 : memref<!tpu.dma_semaphore, #tpu.memory_space<semaphore_mem>>)
    %dma_start3A_35 = arith.constant 2 : i32
    %dma_start3A_36 = arith.constant 0 : i32
    %dma_start3A_37 = arith.constant 0 : i32
    %dma_start3A_38 = tpu.memref_slice %arg8[%dma_start3A_35, %dma_start3A_36, %dma_start3A_37] : memref<8x80x48xf32, #tpu.memory_space<vmem>> -> memref<1x80x48xf32, #tpu.memory_space<vmem>>
    %dma_start3A_39 = tpu.memref_squeeze %dma_start3A_38 : memref<1x80x48xf32, #tpu.memory_space<vmem>> -> memref<80x48xf32, #tpu.memory_space<vmem>>
    %dma_start3A_40 = arith.constant 160 : i32
    %dma_start3A_41 = tpu.memref_slice %arg6[%dma_start3A_40] : memref<10000xi32, #tpu.memory_space<vmem>> -> memref<80xi32, #tpu.memory_space<vmem>>
    %dma_start3A_42 = arith.constant 0 : i32
    %dma_start3A_43 = arith.constant 0 : i32
    %dma_start3A_44 = tpu.memref_slice %arg2[%dma_start3A_42, %dma_start3A_43] : memref<10240x48xf32, #tpu.memory_space<hbm>> -> memref<10240x48xf32, #tpu.memory_space<hbm>>
    tpu.enqueue_indirect_dma source(%dma_start3A_44 : memref<10240x48xf32, #tpu.memory_space<hbm>>) target(%dma_start3A_39 : memref<80x48xf32, #tpu.memory_space<vmem>>) offsets(%dma_start3A_41 : memref<80xi32, #tpu.memory_space<vmem>>) semaphore(%arg10 : memref<!tpu.dma_semaphore, #tpu.memory_space<semaphore_mem>>)
    %dma_start3A_45 = arith.constant 3 : i32
    %dma_start3A_46 = arith.constant 0 : i32
    %dma_start3A_47 = arith.constant 0 : i32
    %dma_start3A_48 = tpu.memref_slice %arg8[%dma_start3A_45, %dma_start3A_46, %dma_start3A_47] : memref<8x80x48xf32, #tpu.memory_space<vmem>> -> memref<1x80x48xf32, #tpu.memory_space<vmem>>
    %dma_start3A_49 = tpu.memref_squeeze %dma_start3A_48 : memref<1x80x48xf32, #tpu.memory_space<vmem>> -> memref<80x48xf32, #tpu.memory_space<vmem>>
    %dma_start3A_50 = arith.constant 240 : i32
    %dma_start3A_51 = tpu.memref_slice %arg6[%dma_start3A_50] : memref<10000xi32, #tpu.memory_space<vmem>> -> memref<80xi32, #tpu.memory_space<vmem>>
    %dma_start3A_52 = arith.constant 0 : i32
    %dma_start3A_53 = arith.constant 0 : i32
    %dma_start3A_54 = tpu.memref_slice %arg2[%dma_start3A_52, %dma_start3A_53] : memref<10240x48xf32, #tpu.memory_space<hbm>> -> memref<10240x48xf32, #tpu.memory_space<hbm>>
    tpu.enqueue_indirect_dma source(%dma_start3A_54 : memref<10240x48xf32, #tpu.memory_space<hbm>>) target(%dma_start3A_49 : memref<80x48xf32, #tpu.memory_space<vmem>>) offsets(%dma_start3A_51 : memref<80xi32, #tpu.memory_space<vmem>>) semaphore(%arg10 : memref<!tpu.dma_semaphore, #tpu.memory_space<semaphore_mem>>)
    %dma_start3A_55 = arith.constant 4 : i32
    %dma_start3A_56 = arith.constant 0 : i32
    %dma_start3A_57 = arith.constant 0 : i32
    %dma_start3A_58 = tpu.memref_slice %arg8[%dma_start3A_55, %dma_start3A_56, %dma_start3A_57] : memref<8x80x48xf32, #tpu.memory_space<vmem>> -> memref<1x80x48xf32, #tpu.memory_space<vmem>>
    %dma_start3A_59 = tpu.memref_squeeze %dma_start3A_58 : memref<1x80x48xf32, #tpu.memory_space<vmem>> -> memref<80x48xf32, #tpu.memory_space<vmem>>
    %dma_start3A_60 = arith.constant 320 : i32
    %dma_start3A_61 = tpu.memref_slice %arg6[%dma_start3A_60] : memref<10000xi32, #tpu.memory_space<vmem>> -> memref<80xi32, #tpu.memory_space<vmem>>
    %dma_start3A_62 = arith.constant 0 : i32
    %dma_start3A_63 = arith.constant 0 : i32
    %dma_start3A_64 = tpu.memref_slice %arg2[%dma_start3A_62, %dma_start3A_63] : memref<10240x48xf32, #tpu.memory_space<hbm>> -> memref<10240x48xf32, #tpu.memory_space<hbm>>
    tpu.enqueue_indirect_dma source(%dma_start3A_64 : memref<10240x48xf32, #tpu.memory_space<hbm>>) target(%dma_start3A_59 : memref<80x48xf32, #tpu.memory_space<vmem>>) offsets(%dma_start3A_61 : memref<80xi32, #tpu.memory_space<vmem>>) semaphore(%arg10 : memref<!tpu.dma_semaphore, #tpu.memory_space<semaphore_mem>>)
    %dma_start3A_65 = arith.constant 5 : i32
    %dma_start3A_66 = arith.constant 0 : i32
    %dma_start3A_67 = arith.constant 0 : i32
    %dma_start3A_68 = tpu.memref_slice %arg8[%dma_start3A_65, %dma_start3A_66, %dma_start3A_67] : memref<8x80x48xf32, #tpu.memory_space<vmem>> -> memref<1x80x48xf32, #tpu.memory_space<vmem>>
    %dma_start3A_69 = tpu.memref_squeeze %dma_start3A_68 : memref<1x80x48xf32, #tpu.memory_space<vmem>> -> memref<80x48xf32, #tpu.memory_space<vmem>>
    %dma_start3A_70 = arith.constant 400 : i32
    %dma_start3A_71 = tpu.memref_slice %arg6[%dma_start3A_70] : memref<10000xi32, #tpu.memory_space<vmem>> -> memref<80xi32, #tpu.memory_space<vmem>>
    %dma_start3A_72 = arith.constant 0 : i32
    %dma_start3A_73 = arith.constant 0 : i32
    %dma_start3A_74 = tpu.memref_slice %arg2[%dma_start3A_72, %dma_start3A_73] : memref<10240x48xf32, #tpu.memory_space<hbm>> -> memref<10240x48xf32, #tpu.memory_space<hbm>>
    tpu.enqueue_indirect_dma source(%dma_start3A_74 : memref<10240x48xf32, #tpu.memory_space<hbm>>) target(%dma_start3A_69 : memref<80x48xf32, #tpu.memory_space<vmem>>) offsets(%dma_start3A_71 : memref<80xi32, #tpu.memory_space<vmem>>) semaphore(%arg10 : memref<!tpu.dma_semaphore, #tpu.memory_space<semaphore_mem>>)
    %dma_start3A_75 = arith.constant 6 : i32
    %dma_start3A_76 = arith.constant 0 : i32
    %dma_start3A_77 = arith.constant 0 : i32
    %dma_start3A_78 = tpu.memref_slice %arg8[%dma_start3A_75, %dma_start3A_76, %dma_start3A_77] : memref<8x80x48xf32, #tpu.memory_space<vmem>> -> memref<1x80x48xf32, #tpu.memory_space<vmem>>
    %dma_start3A_79 = tpu.memref_squeeze %dma_start3A_78 : memref<1x80x48xf32, #tpu.memory_space<vmem>> -> memref<80x48xf32, #tpu.memory_space<vmem>>
    %dma_start3A_80 = arith.constant 480 : i32
    %dma_start3A_81 = tpu.memref_slice %arg6[%dma_start3A_80] : memref<10000xi32, #tpu.memory_space<vmem>> -> memref<80xi32, #tpu.memory_space<vmem>>
    %dma_start3A_82 = arith.constant 0 : i32
    %dma_start3A_83 = arith.constant 0 : i32
    %dma_start3A_84 = tpu.memref_slice %arg2[%dma_start3A_82, %dma_start3A_83] : memref<10240x48xf32, #tpu.memory_space<hbm>> -> memref<10240x48xf32, #tpu.memory_space<hbm>>
    tpu.enqueue_indirect_dma source(%dma_start3A_84 : memref<10240x48xf32, #tpu.memory_space<hbm>>) target(%dma_start3A_79 : memref<80x48xf32, #tpu.memory_space<vmem>>) offsets(%dma_start3A_81 : memref<80xi32, #tpu.memory_space<vmem>>) semaphore(%arg10 : memref<!tpu.dma_semaphore, #tpu.memory_space<semaphore_mem>>)
    %scan3A_85 = arith.constant 0 : i32
    %scan3A_86 = arith.constant 0 : i32
    %scan3A_87 = arith.constant 125 : i32
    %scan3A_88 = arith.addi %scan3A_86, %scan3A_87 : i32
    %scan3A_89 = arith.constant 1 : i32
    %scan3A_90 = scf.for %scan3A_176 = %scan3A_86 to %scan3A_88 step %scan3A_89 iter_args(%scan3A_177 = %scan3A_85) -> (i32)  : i32 {
      %and3A = arith.constant 7 : i32
      %and3A_178 = arith.andi %scan3A_176, %and3A : i32
      %mul3A_179 = arith.constant 80 : i32
      %mul3A_180 = arith.muli %scan3A_176, %mul3A_179 : i32
      %dma_wait3A_181 = arith.constant 0 : i32
      %dma_wait3A_182 = arith.constant 0 : i32
      %dma_wait3A_183 = tpu.memref_slice %arg8[%and3A_178, %dma_wait3A_181, %dma_wait3A_182] : memref<8x80x48xf32, #tpu.memory_space<vmem>> -> memref<1x80x48xf32, #tpu.memory_space<vmem>>
      %dma_wait3A_184 = tpu.memref_squeeze %dma_wait3A_183 : memref<1x80x48xf32, #tpu.memory_space<vmem>> -> memref<80x48xf32, #tpu.memory_space<vmem>>
      %dma_wait3A_185 = tpu.memref_slice %arg6[%mul3A_180] : memref<10000xi32, #tpu.memory_space<vmem>> -> memref<80xi32, #tpu.memory_space<vmem>>
      %dma_wait3A_186 = arith.constant 0 : i32
      %dma_wait3A_187 = arith.constant 0 : i32
      %dma_wait3A_188 = tpu.memref_slice %arg2[%dma_wait3A_186, %dma_wait3A_187] : memref<10240x48xf32, #tpu.memory_space<hbm>> -> memref<10240x48xf32, #tpu.memory_space<hbm>>
      tpu.wait_indirect_dma semaphore(%arg10 : memref<!tpu.dma_semaphore, #tpu.memory_space<semaphore_mem>>) src(%dma_wait3A_188 : memref<10240x48xf32, #tpu.memory_space<hbm>>) dst(%dma_wait3A_184 : memref<80x48xf32, #tpu.memory_space<vmem>>)
      %mul3A_189 = arith.constant 80 : i32
      %mul3A_190 = arith.muli %scan3A_176, %mul3A_189 : i32
      %dma_start3A_191 = arith.constant 0 : i32
      %dma_start3A_192 = arith.constant 0 : i32
      %dma_start3A_193 = tpu.memref_slice %arg8[%and3A_178, %dma_start3A_191, %dma_start3A_192] : memref<8x80x48xf32, #tpu.memory_space<vmem>> -> memref<1x80x48xf32, #tpu.memory_space<vmem>>
      %dma_start3A_194 = tpu.memref_squeeze %dma_start3A_193 : memref<1x80x48xf32, #tpu.memory_space<vmem>> -> memref<80x48xf32, #tpu.memory_space<vmem>>
      %dma_start3A_195 = tpu.memref_slice %arg7[%mul3A_190] : memref<10000xi32, #tpu.memory_space<vmem>> -> memref<80xi32, #tpu.memory_space<vmem>>
      %dma_start3A_196 = arith.constant 0 : i32
      %dma_start3A_197 = arith.constant 0 : i32
      %dma_start3A_198 = tpu.memref_slice %arg5[%dma_start3A_196, %dma_start3A_197] : memref<10240x48xf32, #tpu.memory_space<vmem_shared>> -> memref<10240x48xf32, #tpu.memory_space<vmem_shared>>
      tpu.enqueue_indirect_dma source(%dma_start3A_194 : memref<80x48xf32, #tpu.memory_space<vmem>>) target(%dma_start3A_198 : memref<10240x48xf32, #tpu.memory_space<vmem_shared>>) offsets(%dma_start3A_195 : memref<80xi32, #tpu.memory_space<vmem>>) semaphore(%arg11 : memref<!tpu.dma_semaphore, #tpu.memory_space<semaphore_mem>>) {add = true}
      %ge3A = arith.constant 1 : i32
      %ge3A_199 = arith.cmpi sge, %scan3A_176, %ge3A : i32
      %add3A_200 = arith.constant 8 : i32
      %add3A_201 = arith.addi %scan3A_176, %add3A_200 : i32
      %sub3A = arith.constant 1 : i32
      %sub3A_202 = arith.subi %add3A_201, %sub3A : i32
      %lt3A = arith.constant 125 : i32
      %lt3A_203 = arith.cmpi slt, %sub3A_202, %lt3A : i32
      %and3A_204 = arith.andi %ge3A_199, %lt3A_203 : i1
      %convert_element_type3A = arith.extui %and3A_204 : i1 to i32
      %cond3A = arith.constant 0 : i32
      %cond3A_205 = arith.cmpi ne, %convert_element_type3A, %cond3A : i32
      scf.if %cond3A_205 {
        %sub3A_216 = arith.constant 1 : i32
        %sub3A_217 = arith.subi %scan3A_176, %sub3A_216 : i32
        %and3A_218 = arith.constant 7 : i32
        %and3A_219 = arith.andi %sub3A_217, %and3A_218 : i32
        %sub3A_220 = arith.constant 1 : i32
        %sub3A_221 = arith.subi %scan3A_176, %sub3A_220 : i32
        %mul3A_222 = arith.constant 80 : i32
        %mul3A_223 = arith.muli %sub3A_221, %mul3A_222 : i32
        %dma_wait3A_224 = arith.constant 0 : i32
        %dma_wait3A_225 = arith.constant 0 : i32
        %dma_wait3A_226 = tpu.memref_slice %arg8[%and3A_219, %dma_wait3A_224, %dma_wait3A_225] : memref<8x80x48xf32, #tpu.memory_space<vmem>> -> memref<1x80x48xf32, #tpu.memory_space<vmem>>
        %dma_wait3A_227 = tpu.memref_squeeze %dma_wait3A_226 : memref<1x80x48xf32, #tpu.memory_space<vmem>> -> memref<80x48xf32, #tpu.memory_space<vmem>>
        %dma_wait3A_228 = tpu.memref_slice %arg7[%mul3A_223] : memref<10000xi32, #tpu.memory_space<vmem>> -> memref<80xi32, #tpu.memory_space<vmem>>
        %dma_wait3A_229 = arith.constant 0 : i32
        %dma_wait3A_230 = arith.constant 0 : i32
        %dma_wait3A_231 = tpu.memref_slice %arg5[%dma_wait3A_229, %dma_wait3A_230] : memref<10240x48xf32, #tpu.memory_space<vmem_shared>> -> memref<10240x48xf32, #tpu.memory_space<vmem_shared>>
        tpu.wait_indirect_dma semaphore(%arg11 : memref<!tpu.dma_semaphore, #tpu.memory_space<semaphore_mem>>) src(%dma_wait3A_227 : memref<80x48xf32, #tpu.memory_space<vmem>>) dst(%dma_wait3A_231 : memref<10240x48xf32, #tpu.memory_space<vmem_shared>>)
      } else {
      }
      %add3A_206 = arith.constant 8 : i32
      %add3A_207 = arith.addi %scan3A_176, %add3A_206 : i32
      %sub3A_208 = arith.constant 1 : i32
      %sub3A_209 = arith.subi %add3A_207, %sub3A_208 : i32
      %lt3A_210 = arith.constant 125 : i32
      %lt3A_211 = arith.cmpi slt, %sub3A_209, %lt3A_210 : i32
      %convert_element_type3A_212 = arith.extui %lt3A_211 : i1 to i32
      %cond3A_213 = arith.constant 0 : i32
      %cond3A_214 = arith.cmpi ne, %convert_element_type3A_212, %cond3A_213 : i32
      scf.if %cond3A_214 {
        %add3A_216 = arith.constant 8 : i32
        %add3A_217 = arith.addi %scan3A_176, %add3A_216 : i32
        %sub3A_218 = arith.constant 1 : i32
        %sub3A_219 = arith.subi %add3A_217, %sub3A_218 : i32
        %mul3A_220 = arith.constant 80 : i32
        %mul3A_221 = arith.muli %sub3A_219, %mul3A_220 : i32
        %add3A_222 = arith.constant 8 : i32
        %add3A_223 = arith.addi %scan3A_176, %add3A_222 : i32
        %sub3A_224 = arith.constant 1 : i32
        %sub3A_225 = arith.subi %add3A_223, %sub3A_224 : i32
        %and3A_226 = arith.constant 7 : i32
        %and3A_227 = arith.andi %sub3A_225, %and3A_226 : i32
        %dma_start3A_228 = arith.constant 0 : i32
        %dma_start3A_229 = arith.constant 0 : i32
        %dma_start3A_230 = tpu.memref_slice %arg8[%and3A_227, %dma_start3A_228, %dma_start3A_229] : memref<8x80x48xf32, #tpu.memory_space<vmem>> -> memref<1x80x48xf32, #tpu.memory_space<vmem>>
        %dma_start3A_231 = tpu.memref_squeeze %dma_start3A_230 : memref<1x80x48xf32, #tpu.memory_space<vmem>> -> memref<80x48xf32, #tpu.memory_space<vmem>>
        %dma_start3A_232 = tpu.memref_slice %arg6[%mul3A_221] : memref<10000xi32, #tpu.memory_space<vmem>> -> memref<80xi32, #tpu.memory_space<vmem>>
        %dma_start3A_233 = arith.constant 0 : i32
        %dma_start3A_234 = arith.constant 0 : i32
        %dma_start3A_235 = tpu.memref_slice %arg2[%dma_start3A_233, %dma_start3A_234] : memref<10240x48xf32, #tpu.memory_space<hbm>> -> memref<10240x48xf32, #tpu.memory_space<hbm>>
        tpu.enqueue_indirect_dma source(%dma_start3A_235 : memref<10240x48xf32, #tpu.memory_space<hbm>>) target(%dma_start3A_231 : memref<80x48xf32, #tpu.memory_space<vmem>>) offsets(%dma_start3A_232 : memref<80xi32, #tpu.memory_space<vmem>>) semaphore(%arg10 : memref<!tpu.dma_semaphore, #tpu.memory_space<semaphore_mem>>)
      } else {
      }
      %scan3A_215 = arith.constant 0 : i32
      scf.yield %scan3A_215 : i32
    }
    %scan3A_91 = arith.constant 125 : i32
    %dma_wait3A = arith.constant 0 : i32
    %dma_wait3A_92 = arith.constant 0 : i32
    %dma_wait3A_93 = arith.constant 0 : i32
    %dma_wait3A_94 = tpu.memref_slice %arg8[%dma_wait3A, %dma_wait3A_92, %dma_wait3A_93] : memref<8x80x48xf32, #tpu.memory_space<vmem>> -> memref<1x80x48xf32, #tpu.memory_space<vmem>>
    %dma_wait3A_95 = tpu.memref_squeeze %dma_wait3A_94 : memref<1x80x48xf32, #tpu.memory_space<vmem>> -> memref<80x48xf32, #tpu.memory_space<vmem>>
    %dma_wait3A_96 = arith.constant 0 : i32
    %dma_wait3A_97 = tpu.memref_slice %arg7[%dma_wait3A_96] : memref<10000xi32, #tpu.memory_space<vmem>> -> memref<80xi32, #tpu.memory_space<vmem>>
    %dma_wait3A_98 = arith.constant 0 : i32
    %dma_wait3A_99 = arith.constant 0 : i32
    %dma_wait3A_100 = tpu.memref_slice %arg5[%dma_wait3A_98, %dma_wait3A_99] : memref<10240x48xf32, #tpu.memory_space<vmem_shared>> -> memref<10240x48xf32, #tpu.memory_space<vmem_shared>>
    tpu.wait_indirect_dma semaphore(%arg11 : memref<!tpu.dma_semaphore, #tpu.memory_space<semaphore_mem>>) src(%dma_wait3A_95 : memref<80x48xf32, #tpu.memory_space<vmem>>) dst(%dma_wait3A_100 : memref<10240x48xf32, #tpu.memory_space<vmem_shared>>)
    %dma_wait3A_101 = arith.constant 0 : i32
    %dma_wait3A_102 = arith.constant 0 : i32
    %dma_wait3A_103 = arith.constant 0 : i32
    %dma_wait3A_104 = tpu.memref_slice %arg8[%dma_wait3A_101, %dma_wait3A_102, %dma_wait3A_103] : memref<8x80x48xf32, #tpu.memory_space<vmem>> -> memref<1x80x48xf32, #tpu.memory_space<vmem>>
    %dma_wait3A_105 = tpu.memref_squeeze %dma_wait3A_104 : memref<1x80x48xf32, #tpu.memory_space<vmem>> -> memref<80x48xf32, #tpu.memory_space<vmem>>
    %dma_wait3A_106 = arith.constant 0 : i32
    %dma_wait3A_107 = tpu.memref_slice %arg7[%dma_wait3A_106] : memref<10000xi32, #tpu.memory_space<vmem>> -> memref<80xi32, #tpu.memory_space<vmem>>
    %dma_wait3A_108 = arith.constant 0 : i32
    %dma_wait3A_109 = arith.constant 0 : i32
    %dma_wait3A_110 = tpu.memref_slice %arg5[%dma_wait3A_108, %dma_wait3A_109] : memref<10240x48xf32, #tpu.memory_space<vmem_shared>> -> memref<10240x48xf32, #tpu.memory_space<vmem_shared>>
    tpu.wait_indirect_dma semaphore(%arg11 : memref<!tpu.dma_semaphore, #tpu.memory_space<semaphore_mem>>) src(%dma_wait3A_105 : memref<80x48xf32, #tpu.memory_space<vmem>>) dst(%dma_wait3A_110 : memref<10240x48xf32, #tpu.memory_space<vmem_shared>>)
    %dma_wait3A_111 = arith.constant 0 : i32
    %dma_wait3A_112 = arith.constant 0 : i32
    %dma_wait3A_113 = arith.constant 0 : i32
    %dma_wait3A_114 = tpu.memref_slice %arg8[%dma_wait3A_111, %dma_wait3A_112, %dma_wait3A_113] : memref<8x80x48xf32, #tpu.memory_space<vmem>> -> memref<1x80x48xf32, #tpu.memory_space<vmem>>
    %dma_wait3A_115 = tpu.memref_squeeze %dma_wait3A_114 : memref<1x80x48xf32, #tpu.memory_space<vmem>> -> memref<80x48xf32, #tpu.memory_space<vmem>>
    %dma_wait3A_116 = arith.constant 0 : i32
    %dma_wait3A_117 = tpu.memref_slice %arg7[%dma_wait3A_116] : memref<10000xi32, #tpu.memory_space<vmem>> -> memref<80xi32, #tpu.memory_space<vmem>>
    %dma_wait3A_118 = arith.constant 0 : i32
    %dma_wait3A_119 = arith.constant 0 : i32
    %dma_wait3A_120 = tpu.memref_slice %arg5[%dma_wait3A_118, %dma_wait3A_119] : memref<10240x48xf32, #tpu.memory_space<vmem_shared>> -> memref<10240x48xf32, #tpu.memory_space<vmem_shared>>
    tpu.wait_indirect_dma semaphore(%arg11 : memref<!tpu.dma_semaphore, #tpu.memory_space<semaphore_mem>>) src(%dma_wait3A_115 : memref<80x48xf32, #tpu.memory_space<vmem>>) dst(%dma_wait3A_120 : memref<10240x48xf32, #tpu.memory_space<vmem_shared>>)
    %dma_wait3A_121 = arith.constant 0 : i32
    %dma_wait3A_122 = arith.constant 0 : i32
    %dma_wait3A_123 = arith.constant 0 : i32
    %dma_wait3A_124 = tpu.memref_slice %arg8[%dma_wait3A_121, %dma_wait3A_122, %dma_wait3A_123] : memref<8x80x48xf32, #tpu.memory_space<vmem>> -> memref<1x80x48xf32, #tpu.memory_space<vmem>>
    %dma_wait3A_125 = tpu.memref_squeeze %dma_wait3A_124 : memref<1x80x48xf32, #tpu.memory_space<vmem>> -> memref<80x48xf32, #tpu.memory_space<vmem>>
    %dma_wait3A_126 = arith.constant 0 : i32
    %dma_wait3A_127 = tpu.memref_slice %arg7[%dma_wait3A_126] : memref<10000xi32, #tpu.memory_space<vmem>> -> memref<80xi32, #tpu.memory_space<vmem>>
    %dma_wait3A_128 = arith.constant 0 : i32
    %dma_wait3A_129 = arith.constant 0 : i32
    %dma_wait3A_130 = tpu.memref_slice %arg5[%dma_wait3A_128, %dma_wait3A_129] : memref<10240x48xf32, #tpu.memory_space<vmem_shared>> -> memref<10240x48xf32, #tpu.memory_space<vmem_shared>>
    tpu.wait_indirect_dma semaphore(%arg11 : memref<!tpu.dma_semaphore, #tpu.memory_space<semaphore_mem>>) src(%dma_wait3A_125 : memref<80x48xf32, #tpu.memory_space<vmem>>) dst(%dma_wait3A_130 : memref<10240x48xf32, #tpu.memory_space<vmem_shared>>)
    %dma_wait3A_131 = arith.constant 0 : i32
    %dma_wait3A_132 = arith.constant 0 : i32
    %dma_wait3A_133 = arith.constant 0 : i32
    %dma_wait3A_134 = tpu.memref_slice %arg8[%dma_wait3A_131, %dma_wait3A_132, %dma_wait3A_133] : memref<8x80x48xf32, #tpu.memory_space<vmem>> -> memref<1x80x48xf32, #tpu.memory_space<vmem>>
    %dma_wait3A_135 = tpu.memref_squeeze %dma_wait3A_134 : memref<1x80x48xf32, #tpu.memory_space<vmem>> -> memref<80x48xf32, #tpu.memory_space<vmem>>
    %dma_wait3A_136 = arith.constant 0 : i32
    %dma_wait3A_137 = tpu.memref_slice %arg7[%dma_wait3A_136] : memref<10000xi32, #tpu.memory_space<vmem>> -> memref<80xi32, #tpu.memory_space<vmem>>
    %dma_wait3A_138 = arith.constant 0 : i32
    %dma_wait3A_139 = arith.constant 0 : i32
    %dma_wait3A_140 = tpu.memref_slice %arg5[%dma_wait3A_138, %dma_wait3A_139] : memref<10240x48xf32, #tpu.memory_space<vmem_shared>> -> memref<10240x48xf32, #tpu.memory_space<vmem_shared>>
    tpu.wait_indirect_dma semaphore(%arg11 : memref<!tpu.dma_semaphore, #tpu.memory_space<semaphore_mem>>) src(%dma_wait3A_135 : memref<80x48xf32, #tpu.memory_space<vmem>>) dst(%dma_wait3A_140 : memref<10240x48xf32, #tpu.memory_space<vmem_shared>>)
    %dma_wait3A_141 = arith.constant 0 : i32
    %dma_wait3A_142 = arith.constant 0 : i32
    %dma_wait3A_143 = arith.constant 0 : i32
    %dma_wait3A_144 = tpu.memref_slice %arg8[%dma_wait3A_141, %dma_wait3A_142, %dma_wait3A_143] : memref<8x80x48xf32, #tpu.memory_space<vmem>> -> memref<1x80x48xf32, #tpu.memory_space<vmem>>
    %dma_wait3A_145 = tpu.memref_squeeze %dma_wait3A_144 : memref<1x80x48xf32, #tpu.memory_space<vmem>> -> memref<80x48xf32, #tpu.memory_space<vmem>>
    %dma_wait3A_146 = arith.constant 0 : i32
    %dma_wait3A_147 = tpu.memref_slice %arg7[%dma_wait3A_146] : memref<10000xi32, #tpu.memory_space<vmem>> -> memref<80xi32, #tpu.memory_space<vmem>>
    %dma_wait3A_148 = arith.constant 0 : i32
    %dma_wait3A_149 = arith.constant 0 : i32
    %dma_wait3A_150 = tpu.memref_slice %arg5[%dma_wait3A_148, %dma_wait3A_149] : memref<10240x48xf32, #tpu.memory_space<vmem_shared>> -> memref<10240x48xf32, #tpu.memory_space<vmem_shared>>
    tpu.wait_indirect_dma semaphore(%arg11 : memref<!tpu.dma_semaphore, #tpu.memory_space<semaphore_mem>>) src(%dma_wait3A_145 : memref<80x48xf32, #tpu.memory_space<vmem>>) dst(%dma_wait3A_150 : memref<10240x48xf32, #tpu.memory_space<vmem_shared>>)
    %dma_wait3A_151 = arith.constant 0 : i32
    %dma_wait3A_152 = arith.constant 0 : i32
    %dma_wait3A_153 = arith.constant 0 : i32
    %dma_wait3A_154 = tpu.memref_slice %arg8[%dma_wait3A_151, %dma_wait3A_152, %dma_wait3A_153] : memref<8x80x48xf32, #tpu.memory_space<vmem>> -> memref<1x80x48xf32, #tpu.memory_space<vmem>>
    %dma_wait3A_155 = tpu.memref_squeeze %dma_wait3A_154 : memref<1x80x48xf32, #tpu.memory_space<vmem>> -> memref<80x48xf32, #tpu.memory_space<vmem>>
    %dma_wait3A_156 = arith.constant 0 : i32
    %dma_wait3A_157 = tpu.memref_slice %arg7[%dma_wait3A_156] : memref<10000xi32, #tpu.memory_space<vmem>> -> memref<80xi32, #tpu.memory_space<vmem>>
    %dma_wait3A_158 = arith.constant 0 : i32
    %dma_wait3A_159 = arith.constant 0 : i32
    %dma_wait3A_160 = tpu.memref_slice %arg5[%dma_wait3A_158, %dma_wait3A_159] : memref<10240x48xf32, #tpu.memory_space<vmem_shared>> -> memref<10240x48xf32, #tpu.memory_space<vmem_shared>>
    tpu.wait_indirect_dma semaphore(%arg11 : memref<!tpu.dma_semaphore, #tpu.memory_space<semaphore_mem>>) src(%dma_wait3A_155 : memref<80x48xf32, #tpu.memory_space<vmem>>) dst(%dma_wait3A_160 : memref<10240x48xf32, #tpu.memory_space<vmem_shared>>)
    %dma_wait3A_161 = arith.constant 0 : i32
    %dma_wait3A_162 = arith.constant 0 : i32
    %dma_wait3A_163 = arith.constant 0 : i32
    %dma_wait3A_164 = tpu.memref_slice %arg8[%dma_wait3A_161, %dma_wait3A_162, %dma_wait3A_163] : memref<8x80x48xf32, #tpu.memory_space<vmem>> -> memref<1x80x48xf32, #tpu.memory_space<vmem>>
    %dma_wait3A_165 = tpu.memref_squeeze %dma_wait3A_164 : memref<1x80x48xf32, #tpu.memory_space<vmem>> -> memref<80x48xf32, #tpu.memory_space<vmem>>
    %dma_wait3A_166 = arith.constant 0 : i32
    %dma_wait3A_167 = tpu.memref_slice %arg7[%dma_wait3A_166] : memref<10000xi32, #tpu.memory_space<vmem>> -> memref<80xi32, #tpu.memory_space<vmem>>
    %dma_wait3A_168 = arith.constant 0 : i32
    %dma_wait3A_169 = arith.constant 0 : i32
    %dma_wait3A_170 = tpu.memref_slice %arg5[%dma_wait3A_168, %dma_wait3A_169] : memref<10240x48xf32, #tpu.memory_space<vmem_shared>> -> memref<10240x48xf32, #tpu.memory_space<vmem_shared>>
    tpu.wait_indirect_dma semaphore(%arg11 : memref<!tpu.dma_semaphore, #tpu.memory_space<semaphore_mem>>) src(%dma_wait3A_165 : memref<80x48xf32, #tpu.memory_space<vmem>>) dst(%dma_wait3A_170 : memref<10240x48xf32, #tpu.memory_space<vmem_shared>>)
    %barrier3A_171 = arith.constant 0 : index
    tpu.barrier barrier_id(%barrier3A_171)
    %mul3A_172 = arith.constant 640 : i32
    %mul3A_173 = arith.muli %arg1, %mul3A_172 : i32
    "tpu.region"() ({
      %run_scoped3A = tpu.sem_alloc : memref<!tpu.dma_semaphore, #tpu.memory_space<semaphore_mem>>
      %dma_start3A_176 = arith.constant 0 : i32
      %dma_start3A_177 = tpu.memref_slice %arg5[%mul3A_173, %dma_start3A_176] : memref<10240x48xf32, #tpu.memory_space<vmem_shared>> -> memref<640x48xf32, #tpu.memory_space<vmem_shared>>
      %dma_start3A_178 = arith.constant 0 : i32
      %dma_start3A_179 = tpu.memref_slice %arg5[%mul3A_173, %dma_start3A_178] : memref<10240x48xf32, #tpu.memory_space<vmem_shared>> -> memref<640x48xf32, #tpu.memory_space<vmem_shared>>
      tpu.enqueue_dma source(%dma_start3A_179 : memref<640x48xf32, #tpu.memory_space<vmem_shared>>) target(%arg9 : memref<640x48xf32, #tpu.memory_space<vmem>>) target_semaphore(%run_scoped3A : memref<!tpu.dma_semaphore, #tpu.memory_space<semaphore_mem>>)
      %dma_wait3A_180 = arith.constant 0 : i32
      %dma_wait3A_181 = tpu.memref_slice %arg5[%mul3A_173, %dma_wait3A_180] : memref<10240x48xf32, #tpu.memory_space<vmem_shared>> -> memref<640x48xf32, #tpu.memory_space<vmem_shared>>
      %dma_wait3A_182 = arith.constant 0 : i32
      %dma_wait3A_183 = tpu.memref_slice %arg5[%mul3A_173, %dma_wait3A_182] : memref<10240x48xf32, #tpu.memory_space<vmem_shared>> -> memref<640x48xf32, #tpu.memory_space<vmem_shared>>
      tpu.wait_dma2 semaphore(%run_scoped3A : memref<!tpu.dma_semaphore, #tpu.memory_space<semaphore_mem>>) src(%dma_wait3A_183 : memref<640x48xf32, #tpu.memory_space<vmem_shared>>) dst(%arg9 : memref<640x48xf32, #tpu.memory_space<vmem>>)
      tpu.yield
    }) : () -> ()
    %mul3A_174 = arith.constant 640 : i32
    %mul3A_175 = arith.muli %arg1, %mul3A_174 : i32
    "tpu.region"() ({
      %run_scoped3A = tpu.sem_alloc : memref<!tpu.dma_semaphore, #tpu.memory_space<semaphore_mem>>
      %dma_start3A_176 = arith.constant 0 : i32
      %dma_start3A_177 = tpu.memref_slice %arg4[%arg0, %mul3A_175, %dma_start3A_176] : memref<2x10240x48xf32, #tpu.memory_space<hbm>> -> memref<1x640x48xf32, #tpu.memory_space<hbm>>
      %dma_start3A_178 = tpu.memref_squeeze %dma_start3A_177 : memref<1x640x48xf32, #tpu.memory_space<hbm>> -> memref<640x48xf32, #tpu.memory_space<hbm>>
      %dma_start3A_179 = arith.constant 0 : i32
      %dma_start3A_180 = tpu.memref_slice %arg4[%arg0, %mul3A_175, %dma_start3A_179] : memref<2x10240x48xf32, #tpu.memory_space<hbm>> -> memref<1x640x48xf32, #tpu.memory_space<hbm>>
      %dma_start3A_181 = tpu.memref_squeeze %dma_start3A_180 : memref<1x640x48xf32, #tpu.memory_space<hbm>> -> memref<640x48xf32, #tpu.memory_space<hbm>>
      tpu.enqueue_dma source(%arg9 : memref<640x48xf32, #tpu.memory_space<vmem>>) target(%dma_start3A_181 : memref<640x48xf32, #tpu.memory_space<hbm>>) target_semaphore(%run_scoped3A : memref<!tpu.dma_semaphore, #tpu.memory_space<semaphore_mem>>)
      %dma_wait3A_182 = arith.constant 0 : i32
      %dma_wait3A_183 = tpu.memref_slice %arg4[%arg0, %mul3A_175, %dma_wait3A_182] : memref<2x10240x48xf32, #tpu.memory_space<hbm>> -> memref<1x640x48xf32, #tpu.memory_space<hbm>>
      %dma_wait3A_184 = tpu.memref_squeeze %dma_wait3A_183 : memref<1x640x48xf32, #tpu.memory_space<hbm>> -> memref<640x48xf32, #tpu.memory_space<hbm>>
      %dma_wait3A_185 = arith.constant 0 : i32
      %dma_wait3A_186 = tpu.memref_slice %arg4[%arg0, %mul3A_175, %dma_wait3A_185] : memref<2x10240x48xf32, #tpu.memory_space<hbm>> -> memref<1x640x48xf32, #tpu.memory_space<hbm>>
      %dma_wait3A_187 = tpu.memref_squeeze %dma_wait3A_186 : memref<1x640x48xf32, #tpu.memory_space<hbm>> -> memref<640x48xf32, #tpu.memory_space<hbm>>
      tpu.wait_dma2 semaphore(%run_scoped3A : memref<!tpu.dma_semaphore, #tpu.memory_space<semaphore_mem>>) src(%arg9 : memref<640x48xf32, #tpu.memory_space<vmem>>) dst(%dma_wait3A_187 : memref<640x48xf32, #tpu.memory_space<hbm>>)
      tpu.yield
    }) : () -> ()
    return
  }
}

module attributes {stable_mosaic.version = 14 : i64} {
  func.func @_tc1_body(%arg0: memref<10000x128xf32, #tpu.memory_space<vmem>>, %arg1: memref<128x16xf32, #tpu.memory_space<vmem>>, %arg2: memref<10240x16xf32, #tpu.memory_space<vmem>>) attributes {dimension_semantics = [], scalar_prefetch = 0 : i64, scratch_operands = 0 : i64, tpu.core_type = #tpu.core_type<tc>} {
    %get3A = arith.constant 0 : index
    %get3A_0 = arith.constant 0 : index
    %get3A_1 = vector.load %arg0[%get3A, %get3A_0] : memref<10000x128xf32, #tpu.memory_space<vmem>>, vector<10000x128xf32>
    %get3A_2 = arith.constant 0 : index
    %get3A_3 = arith.constant 0 : index
    %get3A_4 = vector.load %arg1[%get3A_2, %get3A_3] : memref<128x16xf32, #tpu.memory_space<vmem>>, vector<128x16xf32>
    %dot_general3A = arith.constant dense<0.000000e+00> : vector<10000x16xf32>
    %dot_general3A_5 = tpu.matmul %get3A_1, %get3A_4, %dot_general3A {dimension_numbers = #tpu.dot_dimension_numbers<[1], [0], [0], [1], [0, 0, 1, 1], [], []>, transpose_lhs_hint = false} : vector<10000x128xf32>, vector<128x16xf32>, vector<10000x16xf32> -> vector<10000x16xf32>
    %swap3A = arith.constant 0 : index
    %swap3A_6 = arith.constant 0 : index
    %swap3A_7 = vector.load %arg2[%swap3A, %swap3A_6] : memref<10240x16xf32, #tpu.memory_space<vmem>>, vector<10000x16xf32>
    tpu.vector_store %arg2[%swap3A, %swap3A_6], %dot_general3A_5 {strides = array<i32>} : memref<10240x16xf32, #tpu.memory_space<vmem>>, vector<10000x16xf32>,
    return
  }
}

module attributes {stable_mosaic.version = 14 : i64} {
  func.func @_tc2_body(%arg0: memref<2x10240x16xf32, #tpu.memory_space<vmem>>, %arg1: memref<10240x16xf32, #tpu.memory_space<vmem>>, %arg2: memref<10240x1xf32, #tpu.memory_space<vmem>>, %arg3: memref<1x16xf32, #tpu.memory_space<vmem>>, %arg4: memref<16x48xf32, #tpu.memory_space<vmem>>, %arg5: memref<10240x48xf32, #tpu.memory_space<vmem>>) attributes {dimension_semantics = [], scalar_prefetch = 0 : i64, scratch_operands = 0 : i64, tpu.core_type = #tpu.core_type<tc>} {
    %get3A = arith.constant 0 : index
    %get3A_0 = arith.constant 0 : index
    %get3A_1 = vector.load %arg2[%get3A, %get3A_0] : memref<10240x1xf32, #tpu.memory_space<vmem>>, vector<10240x1xf32>
    %get3A_2 = arith.constant 0 : index
    %get3A_3 = arith.constant 0 : index
    %get3A_4 = arith.constant 0 : index
    %get3A_5 = vector.load %arg0[%get3A_2, %get3A_3, %get3A_4] : memref<2x10240x16xf32, #tpu.memory_space<vmem>>, vector<1x10240x16xf32>
    %get3A_6 = vector.shape_cast %get3A_5 : vector<1x10240x16xf32> to vector<10240x16xf32>
    %get3A_7 = arith.constant 1 : index
    %get3A_8 = arith.constant 0 : index
    %get3A_9 = arith.constant 0 : index
    %get3A_10 = vector.load %arg0[%get3A_7, %get3A_8, %get3A_9] : memref<2x10240x16xf32, #tpu.memory_space<vmem>>, vector<1x10240x16xf32>
    %get3A_11 = vector.shape_cast %get3A_10 : vector<1x10240x16xf32> to vector<10240x16xf32>
    %add3A = arith.addf %get3A_6, %get3A_11 : vector<10240x16xf32>
    %get3A_12 = arith.constant 0 : index
    %get3A_13 = arith.constant 0 : index
    %get3A_14 = vector.load %arg1[%get3A_12, %get3A_13] : memref<10240x16xf32, #tpu.memory_space<vmem>>, vector<10240x16xf32>
    %mul3A = vector.broadcast %get3A_1 : vector<10240x1xf32> to vector<10240x16xf32>
    %mul3A_15 = arith.mulf %mul3A, %get3A_14 : vector<10240x16xf32>
    %add3A_16 = arith.addf %add3A, %mul3A_15 : vector<10240x16xf32>
    %mul3A_17 = vector.broadcast %get3A_1 : vector<10240x1xf32> to vector<10240x16xf32>
    %mul3A_18 = arith.mulf %mul3A_17, %add3A_16 : vector<10240x16xf32>
    %get3A_19 = arith.constant 0 : index
    %get3A_20 = arith.constant 0 : index
    %get3A_21 = vector.load %arg3[%get3A_19, %get3A_20] : memref<1x16xf32, #tpu.memory_space<vmem>>, vector<1x16xf32>
    %add3A_22 = vector.broadcast %get3A_21 : vector<1x16xf32> to vector<10240x16xf32>
    %add3A_23 = arith.addf %mul3A_18, %add3A_22 : vector<10240x16xf32>
    %max3A = arith.constant 0.000000e+00 : f32
    %max3A_24 = vector.broadcast %max3A : f32 to vector<10240x16xf32>
    %max3A_25 = arith.maximumf %add3A_23, %max3A_24 : vector<10240x16xf32>
    %get3A_26 = arith.constant 0 : index
    %get3A_27 = arith.constant 0 : index
    %get3A_28 = vector.load %arg4[%get3A_26, %get3A_27] : memref<16x48xf32, #tpu.memory_space<vmem>>, vector<16x48xf32>
    %dot_general3A = arith.constant dense<0.000000e+00> : vector<10240x48xf32>
    %dot_general3A_29 = tpu.matmul %max3A_25, %get3A_28, %dot_general3A {dimension_numbers = #tpu.dot_dimension_numbers<[1], [0], [0], [1], [0, 0, 1, 1], [], []>, transpose_lhs_hint = false} : vector<10240x16xf32>, vector<16x48xf32>, vector<10240x48xf32> -> vector<10240x48xf32>
    %mul3A_30 = vector.broadcast %get3A_1 : vector<10240x1xf32> to vector<10240x48xf32>
    %mul3A_31 = arith.mulf %dot_general3A_29, %mul3A_30 : vector<10240x48xf32>
    %swap3A = arith.constant 0 : index
    %swap3A_32 = arith.constant 0 : index
    %swap3A_33 = vector.load %arg5[%swap3A, %swap3A_32] : memref<10240x48xf32, #tpu.memory_space<vmem>>, vector<10240x48xf32>
    tpu.vector_store %arg5[%swap3A, %swap3A_32], %mul3A_31 {strides = array<i32>} : memref<10240x48xf32, #tpu.memory_space<vmem>>, vector<10240x48xf32>,
    return
  }
}

module attributes {stable_mosaic.version = 14 : i64} {
  func.func @_tc3_body(%arg0: memref<2x10240x48xf32, #tpu.memory_space<vmem>>, %arg1: memref<10240x48xf32, #tpu.memory_space<vmem>>, %arg2: memref<10240x1xf32, #tpu.memory_space<vmem>>, %arg3: memref<1x48xf32, #tpu.memory_space<vmem>>, %arg4: memref<10000x40xf32, #tpu.memory_space<vmem>>) attributes {dimension_semantics = [], scalar_prefetch = 0 : i64, scratch_operands = 0 : i64, tpu.core_type = #tpu.core_type<tc>} {
    %get3A = arith.constant 0 : index
    %get3A_0 = arith.constant 0 : index
    %get3A_1 = vector.load %arg2[%get3A, %get3A_0] : memref<10240x1xf32, #tpu.memory_space<vmem>>, vector<10240x1xf32>
    %get3A_2 = arith.constant 0 : index
    %get3A_3 = arith.constant 0 : index
    %get3A_4 = arith.constant 0 : index
    %get3A_5 = vector.load %arg0[%get3A_2, %get3A_3, %get3A_4] : memref<2x10240x48xf32, #tpu.memory_space<vmem>>, vector<1x10240x48xf32>
    %get3A_6 = vector.shape_cast %get3A_5 : vector<1x10240x48xf32> to vector<10240x48xf32>
    %get3A_7 = arith.constant 1 : index
    %get3A_8 = arith.constant 0 : index
    %get3A_9 = arith.constant 0 : index
    %get3A_10 = vector.load %arg0[%get3A_7, %get3A_8, %get3A_9] : memref<2x10240x48xf32, #tpu.memory_space<vmem>>, vector<1x10240x48xf32>
    %get3A_11 = vector.shape_cast %get3A_10 : vector<1x10240x48xf32> to vector<10240x48xf32>
    %add3A = arith.addf %get3A_6, %get3A_11 : vector<10240x48xf32>
    %get3A_12 = arith.constant 0 : index
    %get3A_13 = arith.constant 0 : index
    %get3A_14 = vector.load %arg1[%get3A_12, %get3A_13] : memref<10240x48xf32, #tpu.memory_space<vmem>>, vector<10240x48xf32>
    %add3A_15 = arith.addf %add3A, %get3A_14 : vector<10240x48xf32>
    %mul3A = vector.broadcast %get3A_1 : vector<10240x1xf32> to vector<10240x48xf32>
    %mul3A_16 = arith.mulf %mul3A, %add3A_15 : vector<10240x48xf32>
    %get3A_17 = arith.constant 0 : index
    %get3A_18 = arith.constant 0 : index
    %get3A_19 = vector.load %arg3[%get3A_17, %get3A_18] : memref<1x48xf32, #tpu.memory_space<vmem>>, vector<1x48xf32>
    %add3A_20 = vector.broadcast %get3A_19 : vector<1x48xf32> to vector<10240x48xf32>
    %add3A_21 = arith.addf %mul3A_16, %add3A_20 : vector<10240x48xf32>
    %reduce_max3A = arith.constant dense<0xFF800000> : vector<10240xf32>
    %reduce_max3A_22 = vector.multi_reduction <maximumf>, %add3A_21, %reduce_max3A [1] : vector<10240x48xf32> to vector<10240xf32>
    %broadcast_in_dim3A = vector.shape_cast %reduce_max3A_22 : vector<10240xf32> to vector<10240x1xf32>
    %sub3A = vector.broadcast %broadcast_in_dim3A : vector<10240x1xf32> to vector<10240x48xf32>
    %sub3A_23 = arith.subf %add3A_21, %sub3A : vector<10240x48xf32>
    %exp3A = math.exp %sub3A_23 : vector<10240x48xf32>
    %reduce_sum3A = arith.constant dense<0.000000e+00> : vector<10240xf32>
    %reduce_sum3A_24 = vector.multi_reduction <add>, %exp3A, %reduce_sum3A [1] : vector<10240x48xf32> to vector<10240xf32>
    %broadcast_in_dim3A_25 = vector.shape_cast %reduce_sum3A_24 : vector<10240xf32> to vector<10240x1xf32>
    %log3A = math.log %broadcast_in_dim3A_25 : vector<10240x1xf32>
    %add3A_26 = arith.addf %log3A, %broadcast_in_dim3A : vector<10240x1xf32>
    %sub3A_27 = vector.broadcast %add3A_26 : vector<10240x1xf32> to vector<10240x48xf32>
    %sub3A_28 = arith.subf %add3A_21, %sub3A_27 : vector<10240x48xf32>
    %slice3A = vector.extract_strided_slice %sub3A_28 {offsets = [0, 0], sizes = [10000, 40], strides = [1, 1]} : vector<10240x48xf32> to vector<10000x40xf32>
    %swap3A = arith.constant 0 : index
    %swap3A_29 = arith.constant 0 : index
    %swap3A_30 = vector.load %arg4[%swap3A, %swap3A_29] : memref<10000x40xf32, #tpu.memory_space<vmem>>, vector<10000x40xf32>
    tpu.vector_store %arg4[%swap3A, %swap3A_29], %slice3A {strides = array<i32>} : memref<10000x40xf32, #tpu.memory_space<vmem>>, vector<10000x40xf32>,
    return
  }
}

</mosaic_0001>

<sc_bundles>
// kernel: kernel.10.cloned.1.call-start
scs
__scs_entry_jumppad:
0x0: {  	(pc) =	sbr.rel $0x88, $3  }
0x1: {  	(tag) =	ssettag $0x0;
	lr =	simm.s32 $0x1  }
0x2: {  	[smem:$0x3F9B] =	sst lr;
	_ =	strace $0xD0000000  }
0x3: {  	_ = 	snop  }
0x4: {  	_ = 	snop  }
0x5: {  	_ = 	snop  }
0x6: {  	_ = 	snop  }
0x7: {  	_ = 	snop  }
__scs_overlays_trampoline_lowered:
0x8: {  	[smem:$0x3FAA] =	sst s0  }
0x9: {  	[smem:$0x3FAB] =	sst s1  }
0xa: {  	[smem:$0x3FAC] =	sst s2  }
0xb: {  	[smem:$0x3FAD] =	sst s3  }
0xc: {  	[smem:$0x3FAE] =	sst s4  }
0xd: {  	[smem:$0x3FAF] =	sst s5  }
0xe: {  	[smem:$0x3FB0] =	sst s6  }
0xf: {  	[smem:$0x3FB1] =	sst s7  }
0x10: {  	[smem:$0x3FB2] =	sst s8  }
0x11: {  	[smem:$0x3FB3] =	sst s9;
	s0 =	simm.s32 @!p0 $0x0  }
0x12: {  	s1 =	sld [smem:$0x3F99];
	s0 =	simm.s32 @p0 $0x1  }
0x13: {  	[smem:$0x3FB4] =	sst s0;
	s0 =	simm.s32 @!p1 $0x0  }
0x14: {  	s2 =	sld [smem:$0x3F98];
	s0 =	simm.s32 @p1 $0x1  }
0x15: {  	[smem:$0x3FB5] =	sst s0;
	s0 =	simm.s32 @!p2 $0x0  }
0x16: {  	s3 =	sld [smem:$0x3FDB];
	s0 =	simm.s32 @p2 $0x1  }
0x17: {  	s4 =	simm.s32 $0x1BF5;
	[smem:$0x3FB7] =	sst s0  }
0x18: {  	s0 =	sld [smem:$0x3F9A];
	_ =	swait.ge [sflag:s4], $0x0  }
0x19: {  	s7 =	sld [smem:$0x3F9B]  }
0x1a: {  	s8 =	sadd.s32 $0xFFFFE003, lr  }
0x1b: {  	s9 =	sadd.s32 $0xFFFFFEF7, lr;
	s5 =	simm.s32 $0xFFFFFFFF;
	p2 =	slt.u32 s8, $0xFFFFF086  }
0x1c: {  	p1 =	slt.u32 s9, $0xF7A;
	s5 =	simm.s32 @!p2 $0x0  }
0x1d: {  	s5 =	simm.s32 @p1 $0x1;
	p0 =	seq.s32 s7, s2  }
0x1e: {  	s7 =	smul.u32 @!p0 $0xF7A, s2;
	p2 =	seq.s32 @!p0 s5, $0x0  }
0x1f: {  	s9 =	smul.u32 $0xF7A, s1;
	s8 =	simm.s32 @!p0 $0x1BF5;
	p2 =	por !p2, p0  }
0x20: {  	[sflag:s8] =	ssyncset.s32 @!p0 $0xFFFFF086;
	s6 =	sadd.s32 @!p0 s3, s7;
	s7 =	simm.s32 @!p0 $0x108  }
0x21: {  	s3 =	sadd.s32 s3, s9;
	s6 =	sadd.s32 @!p0 $0x88, s6;
	s7 =	simm.s32 @p2 $0x1082  }
0x22: {  	[simem:s7], [sflag:s8] =	dma.local @!p0 [hbm:s6], $0xF7A  }
0x23: {  	s9 =	sor.u32 $0xD0000000, s2;
	s6 =	simm.s32 $0x108;
	_ =	swait.ge @!p0 [sflag:s8], $0x0  }
0x24: {  	s3 =	sadd.s32 $0x88, s3;
	s6 =	simm.s32 @!p1 $0x1082;
	[sflag:s4] =	ssyncset.s32 $0xFFFFF086  }
0x25: {  	[simem:s6], [sflag:s4] =	dma.local [hbm:s3], $0xF7A  }
0x26: {  	[smem:$0x3F9B] =	sst s1;
	(tag) =	ssettag s2;
	_ =	strace s9  }
0x27: {  	s1 =	sld [smem:$0x3FAB]  }
0x28: {  	s2 =	sld [smem:$0x3FAC]  }
0x29: {  	s4 =	sld [smem:$0x3FAE]  }
0x2a: {  	p0 =	seq.s32 s5, $0x0;
	s5 =	sld [smem:$0x3FAF]  }
0x2b: {  	s6 =	sld [smem:$0x3FB0]  }
0x2c: {  	s7 =	sld [smem:$0x3FB1]  }
0x2d: {  	s3 =	simm.s32 $0x108;
	s8 =	sld [smem:$0x3FB2]  }
0x2e: {  	s3 =	simm.s32 @!p0 $0x1082;
	s9 =	sld [smem:$0x3FB3]  }
0x2f: {  	lr =	sadd.s32 s0, s3;
	s0 =	sld [smem:$0x3FAA]  }
0x30: {  	s3 =	sld [smem:$0x3FAD]  }
0x31: {  	[smem:$0x3FB6] =	sst s10  }
0x32: {  	s10 =	sld [smem:$0x3FB4];
	_ =	sdelay $0x3  }
0x33: {  	p0 =	seq.s32 s10, $0x1;
	s10 =	sld [smem:$0x3FB6];
	_ =	sdelay $0x3  }
0x34: {  	[smem:$0x3FB6] =	sst s10  }
0x35: {  	s10 =	sld [smem:$0x3FB5];
	_ =	sdelay $0x3  }
0x36: {  	p1 =	seq.s32 s10, $0x1;
	s10 =	sld [smem:$0x3FB6];
	_ =	sdelay $0x3  }
0x37: {  	[smem:$0x3FB6] =	sst s10  }
0x38: {  	s10 =	sld [smem:$0x3FB7]  }
0x39: {  	_ = 	snop;
	(pc) =	sbr.ind lr, $3  }
0x3a: {  	_ = 	snop  }
0x3b: {  	_ = 	snop  }
0x3c: {  	p2 =	seq.s32 s10, $0x1;
	s10 =	sld [smem:$0x3FB6]  }
0x3d: {  	_ =	shalt  }
0x3e: {  	_ =	shalt  }
0x3f: {  	_ =	shalt  }
0x40: {  	_ =	shalt  }
0x41: {  	_ =	shalt  }
0x42: {  	_ =	shalt  }
0x43: {  	_ =	shalt  }
0x44: {  	_ =	shalt  }
0x45: {  	_ =	shalt  }
0x46: {  	_ =	shalt  }
0x47: {  	_ =	shalt  }
0x48: {  	_ =	shalt  }
0x49: {  	_ =	shalt  }
0x4a: {  	_ =	shalt  }
0x4b: {  	_ =	shalt  }
0x4c: {  	_ =	shalt  }
0x4d: {  	_ =	shalt  }
0x4e: {  	_ =	shalt  }
0x4f: {  	_ =	shalt  }
0x50: {  	_ =	shalt  }
0x51: {  	_ =	shalt  }
0x52: {  	_ =	shalt  }
0x53: {  	_ =	shalt  }
0x54: {  	_ =	shalt  }
0x55: {  	_ =	shalt  }
0x56: {  	_ =	shalt  }
0x57: {  	_ =	shalt  }
0x58: {  	_ =	shalt  }
0x59: {  	_ =	shalt  }
0x5a: {  	_ =	shalt  }
0x5b: {  	_ =	shalt  }
0x5c: {  	_ =	shalt  }
0x5d: {  	_ =	shalt  }
0x5e: {  	_ =	shalt  }
0x5f: {  	_ =	shalt  }
0x60: {  	_ =	shalt  }
0x61: {  	_ =	shalt  }
0x62: {  	_ =	shalt  }
0x63: {  	_ =	shalt  }
0x64: {  	_ =	shalt  }
0x65: {  	_ =	shalt  }
0x66: {  	_ =	shalt  }
0x67: {  	_ =	shalt  }
0x68: {  	_ =	shalt  }
0x69: {  	_ =	shalt  }
0x6a: {  	_ =	shalt  }
0x6b: {  	_ =	shalt  }
0x6c: {  	_ =	shalt  }
0x6d: {  	_ =	shalt  }
0x6e: {  	_ =	shalt  }
0x6f: {  	_ =	shalt  }
0x70: {  	_ =	shalt  }
0x71: {  	_ =	shalt  }
0x72: {  	_ =	shalt  }
0x73: {  	_ =	shalt  }
0x74: {  	_ =	shalt  }
0x75: {  	_ =	shalt  }
0x76: {  	_ =	shalt  }
0x77: {  	_ =	shalt  }
0x78: {  	_ =	shalt  }
0x79: {  	_ =	shalt  }
0x7a: {  	_ =	shalt  }
0x7b: {  	_ =	shalt  }
0x7c: {  	_ =	shalt  }
0x7d: {  	_ =	shalt  }
0x7e: {  	_ =	shalt  }
0x7f: {  	_ =	shalt  }
0x80: {  	_ =	shalt  }
0x81: {  	_ =	shalt  }
0x82: {  	_ =	shalt  }
0x83: {  	_ =	shalt  }
0x84: {  	_ =	shalt  }
0x85: {  	_ =	shalt  }
0x86: {  	_ =	shalt  }
0x87: {  	_ =	shalt  }
.Lfunc_end0:
.L_simem_size_0:
called_computation.1_lowered:
.L_overlay_start_0:
0x88: {  	s2 =	sld [smem:$0x3FD9]  }
0x89: {  	s3 =	sld [smem:$0x3FFE];
	_ =	sdelay $0x1  }
0x8a: {  	s1 =	srdreg.scid  }
0x8b: {  	s0 =	sand.u32 $0x1, s1  }
0x8c: {  	s16 =	sshll.u32 s0, $0xA;
	s2 =	sadd.s32 s3, s2  }
0x8d: {  	s2 =	sadd.s32 s2, s16  }
0x8e: {  	[smem:$0x3FC2] =	sst s2  }
0x8f: {  	_ = 	snop  }
0x90: {  	(tm) =	ssettm $0x1  }
0x91: {  	s17 =	sld [smem:$0x3FFB];
	_ =	sdelay $0x3  }
0x92: {  	_ =	strace s17  }
0x93: {  	s2 =	sld [smem:$0x3FFC];
	_ =	sdelay $0x3  }
0x94: {  	_ =	strace s2  }
0x95: {  	s2 =	sld [smem:$0x3FFD];
	_ =	sdelay $0x3  }
0x96: {  	_ =	strace s2  }
0x97: {  	_ =	strace $0x8FFFFFFF  }
0x98: {  	s18 =	sld [smem:$0x3FDB];
	_ =	sdelay $0x1  }
0x99: {  	s19 =	simm.s32 $_scs_section_size  }
0x9a: {  	s4 =	simm.s32 $_size__tile_overlayer_lowered;
	s5 =	simm.s32 $_tile_overlayer_lowered  }
0x9b: {  	s22 =	simm.s32 $0x1BFF;
	s21 =	sshll.u32 s5, $0x1;
	s2 =	sadd.s32 s19, s18  }
0x9c: {  	s6 =	simm.s32 $0x0;
	s20 =	sshll.u32 s4, $0x1;
	s4 =	sadd.s32 s21, s2  }
0x9d: {  	[timem:s6], [sflag:s22] =	dma.local [hbm:s4], s20  }
0x9e: {  	_ =	swait.ge [sflag:s22], s20  }
0x9f: {  	s3 =	ssub.s32 $0x0, s20;
	[sflag:s22] =	ssyncset.done $0x0  }
0xa0: {  	[sflag:s22] =	ssyncadd.s32 s3;
	_ =	sdelay $0x1  }
0xa1: {  	s23 =	simm.s32 $0x1B8B  }
0xa2: {  	_ =	swait.ge [sflag:s23], $0x1  }
0xa3: {  	[sflag:s23] =	ssyncset.done $0x0  }
0xa4: {  	s25 =	simm.s32 $0x1B8E;
	s24 =	sld [smem:$0x3FFE];
	[sflag:s23] =	ssyncadd.s32 $0xFFFFFFFF  }
0xa5: {  	s26 =	simm.s32 $execute0_lowered;
	[smem:$0x3FD2] =	sst s25  }
0xa6: {  	s4 =	sshll.u32 s26, $0x1;
	_ =	strace $0x80000049;
	[dreg:$0x1] =	wrdreg $0xFFFFFFFF  }
0xa7: {  	s28 =	simm.s32 $_size_execute0_lowered;
	s2 =	sadd.s32 s2, s4;
	[dreg:$0x0] =	wrdreg $0x0  }
0xa8: {  	s4 =	sshll.u32 s28, $0x1;
	[dreg:$0x2] =	wrdreg s2  }
0xa9: {  	[dreg:$0x3] =	wrdreg s4  }
0xaa: {  	[dreg:$0x4] =	wrdreg $0xC0  }
0xab: {  	_ =	task [dreg:s6], $0x5FFFF  }
0xac: {  	[dreg:$0x1] =	wrdreg $0xFFFFFFFF  }
0xad: {  	[dreg:$0x0] =	wrdreg $0x60  }
0xae: {  	[dreg:$0x2] =	wrdreg s24  }
0xaf: {  	[dreg:$0x3] =	wrdreg $0x0  }
0xb0: {  	[dreg:$0x4] =	wrdreg $0x9  }
0xb1: {  	_ =	task.clear_ibuf [dreg:s6], $0x5FFFF;
	_ =	strace $0x90000049  }
0xb2: {  	s29 =	simm.s32 $0x9;
	_ =	strace $0x8000004B  }
0xb3: {  	_ =	swait.ge [sflag:s29], $0x1  }
0xb4: {  	[sflag:s29] =	ssyncadd.s32 $0xFFFFFFFF  }
0xb5: {  	_ =	strace $0x9000004B  }
0xb6: {  	_ =	sfence  }
0xb7: {  	s30 =	sld [smem:$0x0];
	_ =	sdelay $0x2  }
0xb8: {  	s31 =	sshll.u32 s1, $0xD;
	s1 =	sshrl.u32 s1, $0x2  }
0xb9: {  	s3 =	sand.u32 $0x4000, s31;
	s1 =	sadd.s32 s1, s30  }
0xba: {  	s0 =	sor.u32 s3, s0;
	s1 =	sshll.u32 s1, $0x11  }
0xbb: {  	s0 =	sor.u32 s1, s0  }
0xbc: {  	s0 =	sadd.s32 $0x8F2B, s0  }
0xbd: {  	[sflag:s0] =	ssyncadd.remote.s32 $0x1  }
0xbe: {  	_ =	sfence.sel $0xFFFF  }
0xbf: {  	[dreg:$0x0] =	wrdreg $0xFFFFFFFF;
	(pc) =	sbr.abs _section_cstart, $3  }
0xc0: {  	[dreg:$0x1] =	wrdreg $0xFFFFFFFF  }
0xc1: {  	_ =	task.clear_ibuf [dreg:s6], $0x2FFFF;
	_ =	strace $0x9FFFFFFF  }
0xc2: {  	(tm) =	ssettm $0x7FFFFFFF  }
0xc3: {  	_ =	shalt  }
tec
execute0_lowered:
.L_overlay_start_1:
0x0: {  	(tag) =	ssettag $0x1  }
0x1: {  	s0 =	srdreg.scid;
	s5 =	rddreg [dreg:$0x0]  }
0x2: {  	s4 =	stileid.u32;
	s2 =	rddreg [dreg:$0x1]  }
0x3: {  	s3 =	simm.s32 $0x0;
	s10 =	simm.s32 $0x13E20;
	s11 =	simm.s32 $0x3  }
0x4: {  	s12 =	simm.s32 $0x7800;
	s13 =	simm.s32 $0x50;
	s16 =	simm.s32 $0xD520  }
0x5: {  	s17 =	simm.s32 $0x78A0;
	s18 =	simm.s32 $0xE420;
	s19 =	simm.s32 $0x78F0  }
0x6: {  	s20 =	simm.s32 $0xF320;
	s21 =	simm.s32 $0x7940;
	s22 =	simm.s32 $0x10220  }
0x7: {  	s23 =	simm.s32 $0x7990;
	s24 =	simm.s32 $0x11120;
	s25 =	simm.s32 $0x79E0  }
0x8: {  	s26 =	simm.s32 $0x12020;
	s28 =	simm.s32 $0x1;
	s29 =	simm.s32 $0x2  }
0x9: {  	s0 =	sand.u32 $0x1, s0;
	s1 =	sshll.u32 s4, $0x1;
	s6 =	smul.u32 $0x7800, s4  }
0xa: {  	s30 =	simm.s32 $0x0;
	s1 =	sor.u32 s0, s1;
	s7 =	smul.u32 $0x78000, s0  }
0xb: {  	[smem:$0x7FF] =	sst s3;
	s4 =	sadd.s32 $0x1A200, s5;
	s1 =	smul.u32 $0x2710, s1  }
.Ltmp0:
0xc: {  	_ =	strace $0x8000004A;
	s0 =	ssub.s32 $0x2, s0;
	(pc) =	sbr.rel .LBB2_1-.Ltmp0, $4  }
0xd: {  	s8 =	sshrl.u32 s0, $0x1;
	s7 =	sadd.s32 s6, s7;
	s1 =	sshrl.u32 s1, $0x3  }
0xe: {  	s0 =	ssub.s32 s0, s8;
	s7 =	sshrl.u32 s7, $0x3;
	s1 =	sadd.s32 s1, s5  }
0xf: {  	s9 =	sadd.s32 s7, s5;
	s5 =	sadd.s32 s6, s2;
	s6 =	sadd.s32 $0x6800, s1  }
0x10: {  	v0 =	vimm.f32 $0.0e+00;
	s7 =	sadd.s32 $0x10440, s1;
	s8 =	sadd.s32 $0x29200, s9;
	s9 =	smax.u32 s0, $0x1  }
.LBB2_9:
0x11: {  	_ =	swait.ge [sflag:s29], $0xF00  }
0x12: {  	[sflag:s29] =	ssyncset.done $0x0  }
0x13: {  	[sflag:s29] =	ssyncadd.s32 $0xFFFFF100  }
0x14: {  	_ =	swait.ge [sflag:s29], $0xF00  }
0x15: {  	[sflag:s29] =	ssyncset.done $0x0  }
0x16: {  	[sflag:s29] =	ssyncadd.s32 $0xFFFFF100  }
0x17: {  	_ =	swait.ge [sflag:s29], $0xF00  }
0x18: {  	[sflag:s29] =	ssyncset.done $0x0  }
0x19: {  	[sflag:s29] =	ssyncadd.s32 $0xFFFFF100  }
0x1a: {  	_ =	swait.ge [sflag:s29], $0xF00  }
0x1b: {  	[sflag:s29] =	ssyncset.done $0x0  }
0x1c: {  	[sflag:s29] =	ssyncadd.s32 $0xFFFFF100  }
0x1d: {  	_ =	swait.ge [sflag:s29], $0xF00  }
0x1e: {  	[sflag:s29] =	ssyncset.done $0x0  }
0x1f: {  	[sflag:s29] =	ssyncadd.s32 $0xFFFFF100  }
0x20: {  	_ =	swait.ge [sflag:s29], $0xF00  }
0x21: {  	[sflag:s29] =	ssyncset.done $0x0  }
0x22: {  	[sflag:s29] =	ssyncadd.s32 $0xFFFFF100  }
0x23: {  	_ =	swait.ge [sflag:s29], $0xF00  }
0x24: {  	[sflag:s29] =	ssyncset.done $0x0  }
0x25: {  	[sflag:s29] =	ssyncadd.s32 $0xFFFFF100  }
0x26: {  	_ =	swait.ge [sflag:s29], $0xF00  }
0x27: {  	[sflag:s29] =	ssyncset.done $0x0  }
0x28: {  	[sflag:s29] =	ssyncadd.s32 $0xFFFFF100  }
0x29: {  	[bflag:$0x0] =	sbarrier.arrive $0xFFFF  }
0x2a: {  	[tilespmem:s10], [sflag:$0x3] =	stream.linear.gather [spmem:s5], $0x7800, $0x38;
	[tilespmem:$0x1B620] =	vst v63  }
0x2b: {  	s30 =	sadd.s32 $0x1, s30;
	_ =	swait.ge [sflag:s11], $0x7800  }
0x2c: {  	p0 =	sne.s32 s30, s9;
	[sflag:s11] =	ssyncset.done $0x0  }
.Ltmp1:
0x2d: {  	[sflag:s11] =	ssyncadd.s32 $0xFFFF8800;
	(pc) =	sbr.rel @!p0 .LBB2_10-.Ltmp1, $4  }
0x2e: {  	[hbm4b:s8+s3] =	stream.linear.scatter [tilespmem:s10], [sflag:$0x3], $0x7800, $0x38;
	[tilespmem:$0x1B620] =	vst v63  }
0x2f: {  	_ =	swait.ge [sflag:s11], $0x7800  }
0x30: {  	[sflag:s11] =	ssyncset.done $0x0  }
0x31: {  	[sflag:s11] =	ssyncadd.s32 $0xFFFF8800  }
.LBB2_1:
0x32: {  	s0 =	simm.s32 $0xC0;
	s1 =	simm.s32 $0x0  }
.LBB2_2:
0x33: {  	p0 =	sne.s32 s0, $0x1DF40;
	[tilespmem:s1+$0x13E40] =	vst v0;
	s14 =	smov.u32 s0;
	s0 =	sadd.s32 $0xC0, s0  }
.Ltmp2:
0x34: {  	[tilespmem:s1+$0x13E20] =	vst v0;
	(pc) =	sbr.rel @p0 .LBB2_2-.Ltmp2, $2  }
0x35: {  	[tilespmem:s1+$0x13E30] =	vst v0;
	_ =	sdelay $0x2  }
0x36: {  	s1 =	sshra.s32 s14, $0x2  }
0x37: {  	[tilespmem:s1+$0x13E40] =	vst v0  }
0x38: {  	[tilespmem:s1+$0x13E20] =	vst v0  }
0x39: {  	[tilespmem:s1+$0x13E30] =	vst v0  }
0x3a: {  	[spmem:s5] =	stream.linear.scatter [tilespmem:s10], [sflag:$0x3], $0x7800, $0x38;
	[tilespmem:$0x1B620] =	vst v63  }
0x3b: {  	_ =	swait.ge [sflag:s11], $0x7800  }
0x3c: {  	[sflag:s11] =	ssyncset.done $0x0  }
0x3d: {  	[sflag:s11] =	ssyncadd.s32 $0xFFFF8800  }
0x3e: {  	[bflag:$0x0] =	sbarrier.arrive $0xFFFF  }
0x3f: {  	[tilespmem:s12], [sflag:$0x3] =	stream.linear.gather [hbm4b:s6+s3], $0x2710, $0x38;
	[tilespmem:$0x1B620] =	vst v63  }
0x40: {  	_ =	swait.ge [sflag:s11], $0x2710  }
0x41: {  	[sflag:s11] =	ssyncset.done $0x0  }
0x42: {  	s31 =	simm.s32 $0x9F10;
	[sflag:s11] =	ssyncadd.s32 $0xFFFFD8F0  }
0x43: {  	[tilespmem:s31], [sflag:$0x3] =	stream.linear.gather [hbm4b:s7+s3], $0x2710, $0x38;
	[tilespmem:$0x1B620] =	vst v63  }
0x44: {  	_ =	swait.ge [sflag:s11], $0x2710  }
0x45: {  	[sflag:s11] =	ssyncset.done $0x0  }
0x46: {  	s0 =	simm.s32 $0xC620;
	[sflag:s11] =	ssyncadd.s32 $0xFFFFD8F0  }
0x47: {  	[tilespmem:s0], [sflag:$0x1] =	stream.indirect.gather [hbm4b:s4+s13], $0x30, s12, s13, $0xb8;
	[tilespmem:$0x1B620] =	vst v63  }
0x48: {  	s15 =	simm.s32 $0x7850  }
0x49: {  	[tilespmem:s16], [sflag:$0x1] =	stream.indirect.gather [hbm4b:s4+s13], $0x30, s15, s13, $0xb8;
	[tilespmem:$0x1B620] =	vst v63  }
0x4a: {  	_ = 	snop  }
0x4b: {  	[tilespmem:s18], [sflag:$0x1] =	stream.indirect.gather [hbm4b:s4+s13], $0x30, s17, s13, $0xb8;
	[tilespmem:$0x1B620] =	vst v63  }
0x4c: {  	_ = 	snop  }
0x4d: {  	[tilespmem:s20], [sflag:$0x1] =	stream.indirect.gather [hbm4b:s4+s13], $0x30, s19, s13, $0xb8;
	[tilespmem:$0x1B620] =	vst v63  }
0x4e: {  	_ = 	snop  }
0x4f: {  	[tilespmem:s22], [sflag:$0x1] =	stream.indirect.gather [hbm4b:s4+s13], $0x30, s21, s13, $0xb8;
	[tilespmem:$0x1B620] =	vst v63  }
.Ltmp3:
0x50: {  	_ = 	snop;
	(pc) =	sbr.rel .LBB2_4-.Ltmp3, $4  }
0x51: {  	_ = 	snop  }
0x52: {  	[tilespmem:s24], [sflag:$0x1] =	stream.indirect.gather [hbm4b:s4+s13], $0x30, s23, s13, $0xb8;
	[tilespmem:$0x1B620] =	vst v63  }
0x53: {  	s1 =	simm.s32 $0x7A30;
	s0 =	simm.s32 $0xFFFFFFFF  }
0x54: {  	[tilespmem:s26], [sflag:$0x1] =	stream.indirect.gather [hbm4b:s4+s13], $0x30, s25, s13, $0xb8;
	[tilespmem:$0x1B620] =	vst v63  }
.LBB2_5:
0x55: {  	_ =	swait.ge [sflag:s29], $0xF00  }
0x56: {  	[sflag:s29] =	ssyncset.done $0x0  }
0x57: {  	[sflag:s29] =	ssyncadd.s32 $0xFFFFF100  }
.LBB2_7:
0x58: {  	s0 =	sadd.s32 $0x8, s0  }
0x59: {  	s0 =	sand.u32 $0x7, s0  }
0x5a: {  	s0 =	smul.u32 $0x3C00, s0;
	_ =	sdelay $0x1  }
0x5b: {  	s0 =	sshrl.u32 s0, $0x2  }
0x5c: {  	s0 =	sadd.s32 $0xC620, s0  }
0x5d: {  	[tilespmem:s0], [sflag:$0x1] =	stream.indirect.gather [hbm4b:s4+s13], $0x30, s1, s13, $0xb8;
	[tilespmem:$0x1B620] =	vst v63  }
.LBB2_8:
0x5e: {  	p0 =	sne.s32 s14, $0x7C  }
.Ltmp4:
0x5f: {  	_ = 	snop;
	(pc) =	sbr.rel @!p0 .LBB2_9-.Ltmp4, $2  }
0x60: {  	_ =	sdelay $0x2  }
0x61: {  	s1 =	sadd.s32 $0x50, s1;
	s31 =	sadd.s32 $0x50, s31;
	s0 =	smov.u32 s14  }
.LBB2_4:
0x62: {  	s14 =	sadd.s32 $0x1, s0  }
0x63: {  	s15 =	sand.u32 $0x7, s14  }
0x64: {  	p0 =	sgt.u32 s0, $0x74;
	s15 =	smul.u32 $0x3C00, s15  }
.Ltmp5:
0x65: {  	_ = 	snop;
	(pc) =	sbr.rel @!p0 .LBB2_5-.Ltmp5, $4  }
0x66: {  	_ =	swait.ge [sflag:s28], $0xF00  }
0x67: {  	[sflag:s28] =	ssyncset.done $0x0;
	s15 =	sshrl.u32 s15, $0x2  }
0x68: {  	[sflag:s28] =	ssyncadd.s32 $0xFFFFF100;
	s15 =	sadd.s32 $0xC620, s15  }
0x69: {  	[spmem:s2] =	stream.indirect.scatter.add.f32 [tilespmem:s15], [sflag:$0x2], $0x30, s31, s13, $0xb8;
	[tilespmem:$0x1B620] =	vst v63  }
0x6a: {  	p0 =	sgt.u32 s14, $0x75  }
.Ltmp6:
0x6b: {  	_ = 	snop;
	(pc) =	sbr.rel @p0 .LBB2_8-.Ltmp6, $4  }
.Ltmp7:
0x6c: {  	_ = 	snop;
	(pc) =	sbr.rel @!p0 .LBB2_7-.Ltmp7, $4  }
0x6d: {  	_ = 	snop  }
0x6e: {  	_ = 	snop  }
0x6f: {  	_ = 	snop  }
0x70: {  	_ = 	snop  }
.LBB2_10:
0x71: {  	_ =	sfence.sel $0x180000  }
0x72: {  	[bflag:$0x0] =	sbarrier.arrive $0xFFFF  }
0x73: {  	_ =	strace $0x9000004A  }
0x74: {  	s0 =	stileid.u32;
	[bflag:$0x2] =	sbarrier.arrive $0xFFFF  }
0x75: {  	p0 =	sne.s32 s0, $0x0;
	s0 =	rddreg [dreg:$0x2]  }
0x76: {  	s0 =	sadd.s32 @!p0 $0x100000, s0  }
0x77: {  	[sflag:s0] =	ssyncadd.tile.s32 @!p0 $0x1;
	_ =	shalt  }
.Lfunc_end2:
_tile_overlayer_lowered:
.L_overlay_start_2:
0x78: {  	(tag) =	ssettag $0x2  }
0x79: {  	s0 =	rddreg [dreg:$0x0];
	s2 =	stileid.u32  }
0x7a: {  	s1 =	rddreg [dreg:$0x1];
	p0 =	sne.s32 s2, $0x0  }
0x7b: {  	s3 =	rddreg [dreg:$0x2];
	[bflag:$0x3] =	sbarrier.arrive $0xFFFF;
	s2 =	simm.s32 @!p0 $0x1C03  }
0x7c: {  	[timem:s3], [sflag:s2] =	dma.local @!p0 [hbm:s0], s1  }
0x7d: {  	s0 =	simm.s32 @!p0 $0x3  }
0x7e: {  	_ =	swait.ge @!p0 [sflag:s0], s1  }
0x7f: {  	s1 =	ssub.s32 @!p0 $0x0, s1;
	[sflag:s0] =	ssyncset.done @!p0 $0x0  }
0x80: {  	[sflag:s0] =	ssyncadd.s32 @!p0 s1  }
0x81: {  	[bflag:$0x3] =	sbarrier.arrive $0xFFFF  }
0x82: {  	_ =	shalt  }

// kernel: kernel.7.cloned.1.call-start
scs
__scs_entry_jumppad:
0x0: {  	(pc) =	sbr.rel $0x88, $3  }
0x1: {  	(tag) =	ssettag $0x0;
	lr =	simm.s32 $0x1  }
0x2: {  	[smem:$0x3F9B] =	sst lr;
	_ =	strace $0xD0000000  }
0x3: {  	_ = 	snop  }
0x4: {  	_ = 	snop  }
0x5: {  	_ = 	snop  }
0x6: {  	_ = 	snop  }
0x7: {  	_ = 	snop  }
__scs_overlays_trampoline_lowered:
0x8: {  	[smem:$0x3FAA] =	sst s0  }
0x9: {  	[smem:$0x3FAB] =	sst s1  }
0xa: {  	[smem:$0x3FAC] =	sst s2  }
0xb: {  	[smem:$0x3FAD] =	sst s3  }
0xc: {  	[smem:$0x3FAE] =	sst s4  }
0xd: {  	[smem:$0x3FAF] =	sst s5  }
0xe: {  	[smem:$0x3FB0] =	sst s6  }
0xf: {  	[smem:$0x3FB1] =	sst s7  }
0x10: {  	[smem:$0x3FB2] =	sst s8  }
0x11: {  	[smem:$0x3FB3] =	sst s9;
	s0 =	simm.s32 @!p0 $0x0  }
0x12: {  	s1 =	sld [smem:$0x3F99];
	s0 =	simm.s32 @p0 $0x1  }
0x13: {  	[smem:$0x3FB4] =	sst s0;
	s0 =	simm.s32 @!p1 $0x0  }
0x14: {  	s2 =	sld [smem:$0x3F98];
	s0 =	simm.s32 @p1 $0x1  }
0x15: {  	[smem:$0x3FB5] =	sst s0;
	s0 =	simm.s32 @!p2 $0x0  }
0x16: {  	s3 =	sld [smem:$0x3FDB];
	s0 =	simm.s32 @p2 $0x1  }
0x17: {  	s4 =	simm.s32 $0x1BF5;
	[smem:$0x3FB7] =	sst s0  }
0x18: {  	s0 =	sld [smem:$0x3F9A];
	_ =	swait.ge [sflag:s4], $0x0  }
0x19: {  	s7 =	sld [smem:$0x3F9B]  }
0x1a: {  	s8 =	sadd.s32 $0xFFFFE003, lr  }
0x1b: {  	s9 =	sadd.s32 $0xFFFFFEF7, lr;
	s5 =	simm.s32 $0xFFFFFFFF;
	p2 =	slt.u32 s8, $0xFFFFF086  }
0x1c: {  	p1 =	slt.u32 s9, $0xF7A;
	s5 =	simm.s32 @!p2 $0x0  }
0x1d: {  	s5 =	simm.s32 @p1 $0x1;
	p0 =	seq.s32 s7, s2  }
0x1e: {  	s7 =	smul.u32 @!p0 $0xF7A, s2;
	p2 =	seq.s32 @!p0 s5, $0x0  }
0x1f: {  	s9 =	smul.u32 $0xF7A, s1;
	s8 =	simm.s32 @!p0 $0x1BF5;
	p2 =	por !p2, p0  }
0x20: {  	[sflag:s8] =	ssyncset.s32 @!p0 $0xFFFFF086;
	s6 =	sadd.s32 @!p0 s3, s7;
	s7 =	simm.s32 @!p0 $0x108  }
0x21: {  	s3 =	sadd.s32 s3, s9;
	s6 =	sadd.s32 @!p0 $0x88, s6;
	s7 =	simm.s32 @p2 $0x1082  }
0x22: {  	[simem:s7], [sflag:s8] =	dma.local @!p0 [hbm:s6], $0xF7A  }
0x23: {  	s9 =	sor.u32 $0xD0000000, s2;
	s6 =	simm.s32 $0x108;
	_ =	swait.ge @!p0 [sflag:s8], $0x0  }
0x24: {  	s3 =	sadd.s32 $0x88, s3;
	s6 =	simm.s32 @!p1 $0x1082;
	[sflag:s4] =	ssyncset.s32 $0xFFFFF086  }
0x25: {  	[simem:s6], [sflag:s4] =	dma.local [hbm:s3], $0xF7A  }
0x26: {  	[smem:$0x3F9B] =	sst s1;
	(tag) =	ssettag s2;
	_ =	strace s9  }
0x27: {  	s1 =	sld [smem:$0x3FAB]  }
0x28: {  	s2 =	sld [smem:$0x3FAC]  }
0x29: {  	s4 =	sld [smem:$0x3FAE]  }
0x2a: {  	p0 =	seq.s32 s5, $0x0;
	s5 =	sld [smem:$0x3FAF]  }
0x2b: {  	s6 =	sld [smem:$0x3FB0]  }
0x2c: {  	s7 =	sld [smem:$0x3FB1]  }
0x2d: {  	s3 =	simm.s32 $0x108;
	s8 =	sld [smem:$0x3FB2]  }
0x2e: {  	s3 =	simm.s32 @!p0 $0x1082;
	s9 =	sld [smem:$0x3FB3]  }
0x2f: {  	lr =	sadd.s32 s0, s3;
	s0 =	sld [smem:$0x3FAA]  }
0x30: {  	s3 =	sld [smem:$0x3FAD]  }
0x31: {  	[smem:$0x3FB6] =	sst s10  }
0x32: {  	s10 =	sld [smem:$0x3FB4];
	_ =	sdelay $0x3  }
0x33: {  	p0 =	seq.s32 s10, $0x1;
	s10 =	sld [smem:$0x3FB6];
	_ =	sdelay $0x3  }
0x34: {  	[smem:$0x3FB6] =	sst s10  }
0x35: {  	s10 =	sld [smem:$0x3FB5];
	_ =	sdelay $0x3  }
0x36: {  	p1 =	seq.s32 s10, $0x1;
	s10 =	sld [smem:$0x3FB6];
	_ =	sdelay $0x3  }
0x37: {  	[smem:$0x3FB6] =	sst s10  }
0x38: {  	s10 =	sld [smem:$0x3FB7]  }
0x39: {  	_ = 	snop;
	(pc) =	sbr.ind lr, $3  }
0x3a: {  	_ = 	snop  }
0x3b: {  	_ = 	snop  }
0x3c: {  	p2 =	seq.s32 s10, $0x1;
	s10 =	sld [smem:$0x3FB6]  }
0x3d: {  	_ =	shalt  }
0x3e: {  	_ =	shalt  }
0x3f: {  	_ =	shalt  }
0x40: {  	_ =	shalt  }
0x41: {  	_ =	shalt  }
0x42: {  	_ =	shalt  }
0x43: {  	_ =	shalt  }
0x44: {  	_ =	shalt  }
0x45: {  	_ =	shalt  }
0x46: {  	_ =	shalt  }
0x47: {  	_ =	shalt  }
0x48: {  	_ =	shalt  }
0x49: {  	_ =	shalt  }
0x4a: {  	_ =	shalt  }
0x4b: {  	_ =	shalt  }
0x4c: {  	_ =	shalt  }
0x4d: {  	_ =	shalt  }
0x4e: {  	_ =	shalt  }
0x4f: {  	_ =	shalt  }
0x50: {  	_ =	shalt  }
0x51: {  	_ =	shalt  }
0x52: {  	_ =	shalt  }
0x53: {  	_ =	shalt  }
0x54: {  	_ =	shalt  }
0x55: {  	_ =	shalt  }
0x56: {  	_ =	shalt  }
0x57: {  	_ =	shalt  }
0x58: {  	_ =	shalt  }
0x59: {  	_ =	shalt  }
0x5a: {  	_ =	shalt  }
0x5b: {  	_ =	shalt  }
0x5c: {  	_ =	shalt  }
0x5d: {  	_ =	shalt  }
0x5e: {  	_ =	shalt  }
0x5f: {  	_ =	shalt  }
0x60: {  	_ =	shalt  }
0x61: {  	_ =	shalt  }
0x62: {  	_ =	shalt  }
0x63: {  	_ =	shalt  }
0x64: {  	_ =	shalt  }
0x65: {  	_ =	shalt  }
0x66: {  	_ =	shalt  }
0x67: {  	_ =	shalt  }
0x68: {  	_ =	shalt  }
0x69: {  	_ =	shalt  }
0x6a: {  	_ =	shalt  }
0x6b: {  	_ =	shalt  }
0x6c: {  	_ =	shalt  }
0x6d: {  	_ =	shalt  }
0x6e: {  	_ =	shalt  }
0x6f: {  	_ =	shalt  }
0x70: {  	_ =	shalt  }
0x71: {  	_ =	shalt  }
0x72: {  	_ =	shalt  }
0x73: {  	_ =	shalt  }
0x74: {  	_ =	shalt  }
0x75: {  	_ =	shalt  }
0x76: {  	_ =	shalt  }
0x77: {  	_ =	shalt  }
0x78: {  	_ =	shalt  }
0x79: {  	_ =	shalt  }
0x7a: {  	_ =	shalt  }
0x7b: {  	_ =	shalt  }
0x7c: {  	_ =	shalt  }
0x7d: {  	_ =	shalt  }
0x7e: {  	_ =	shalt  }
0x7f: {  	_ =	shalt  }
0x80: {  	_ =	shalt  }
0x81: {  	_ =	shalt  }
0x82: {  	_ =	shalt  }
0x83: {  	_ =	shalt  }
0x84: {  	_ =	shalt  }
0x85: {  	_ =	shalt  }
0x86: {  	_ =	shalt  }
0x87: {  	_ =	shalt  }
.Lfunc_end0:
.L_simem_size_0:
called_computation_lowered:
.L_overlay_start_0:
0x88: {  	s2 =	sld [smem:$0x3FD9]  }
0x89: {  	s3 =	sld [smem:$0x3FFE];
	_ =	sdelay $0x1  }
0x8a: {  	s1 =	srdreg.scid  }
0x8b: {  	s0 =	sand.u32 $0x1, s1  }
0x8c: {  	s17 =	sshll.u32 s0, $0xA;
	s2 =	sadd.s32 s3, s2  }
0x8d: {  	s2 =	sadd.s32 s2, s17  }
0x8e: {  	[smem:$0x3FC2] =	sst s2  }
0x8f: {  	_ = 	snop  }
0x90: {  	s2 =	sld [smem:$0x3FD0];
	(tm) =	ssettm $0x1  }
0x91: {  	s18 =	sld [smem:$0x3FFB];
	_ =	sdelay $0x3  }
0x92: {  	_ =	strace s18  }
0x93: {  	s3 =	sld [smem:$0x3FFC];
	_ =	sdelay $0x3  }
0x94: {  	_ =	strace s3  }
0x95: {  	s3 =	sld [smem:$0x3FFD];
	_ =	sdelay $0x3  }
0x96: {  	_ =	strace s3  }
0x97: {  	_ =	strace $0x8FFFFFFF  }
0x98: {  	s19 =	sld [smem:$0x3FDB];
	_ =	sdelay $0x1  }
0x99: {  	s4 =	simm.s32 $_scs_section_size  }
0x9a: {  	s5 =	simm.s32 $_size__tile_overlayer_lowered;
	s6 =	simm.s32 $_tile_overlayer_lowered  }
0x9b: {  	s22 =	simm.s32 $0x1BFF;
	s21 =	sshll.u32 s6, $0x1;
	s3 =	sadd.s32 s4, s19  }
0x9c: {  	s7 =	simm.s32 $0x0;
	s20 =	sshll.u32 s5, $0x1;
	s5 =	sadd.s32 s21, s3  }
0x9d: {  	[timem:s7], [sflag:s22] =	dma.local [hbm:s5], s20  }
0x9e: {  	_ =	swait.ge [sflag:s22], s20  }
0x9f: {  	s4 =	ssub.s32 $0x0, s20;
	[sflag:s22] =	ssyncset.done $0x0  }
0xa0: {  	[sflag:s22] =	ssyncadd.s32 s4;
	_ =	sdelay $0x1  }
0xa1: {  	s23 =	simm.s32 $0x1B8B  }
0xa2: {  	_ =	swait.ge [sflag:s23], $0x1  }
0xa3: {  	[sflag:s23] =	ssyncset.done $0x0  }
0xa4: {  	s25 =	simm.s32 $0x1B8E;
	s24 =	sld [smem:$0x3FFE];
	[sflag:s23] =	ssyncadd.s32 $0xFFFFFFFF  }
0xa5: {  	s26 =	simm.s32 $execute0_lowered;
	[smem:$0x3FD2] =	sst s25  }
0xa6: {  	s5 =	sshll.u32 s26, $0x1;
	_ =	strace $0x80000046;
	[dreg:$0x1] =	wrdreg $0xFFFFFFFF  }
0xa7: {  	s28 =	simm.s32 $_size_execute0_lowered;
	s3 =	sadd.s32 s3, s5;
	[dreg:$0x0] =	wrdreg $0x0  }
0xa8: {  	s5 =	sshll.u32 s28, $0x1;
	[dreg:$0x2] =	wrdreg s3  }
0xa9: {  	[dreg:$0x3] =	wrdreg s5  }
0xaa: {  	[dreg:$0x4] =	wrdreg $0xC0  }
0xab: {  	_ =	task [dreg:s7], $0x5FFFF  }
0xac: {  	[dreg:$0x1] =	wrdreg $0xFFFFFFFF  }
0xad: {  	[dreg:$0x0] =	wrdreg $0x60  }
0xae: {  	[dreg:$0x2] =	wrdreg s24  }
0xaf: {  	[dreg:$0x3] =	wrdreg s2  }
0xb0: {  	[dreg:$0x4] =	wrdreg $0x28000  }
0xb1: {  	[dreg:$0x5] =	wrdreg $0x50000  }
0xb2: {  	[dreg:$0x6] =	wrdreg $0x0  }
0xb3: {  	[dreg:$0x7] =	wrdreg $0x9  }
0xb4: {  	_ =	task.clear_ibuf [dreg:s7], $0x8FFFF;
	_ =	strace $0x90000046  }
0xb5: {  	s29 =	simm.s32 $0x9;
	_ =	strace $0x80000048  }
0xb6: {  	_ =	swait.ge [sflag:s29], $0x1  }
0xb7: {  	[sflag:s29] =	ssyncadd.s32 $0xFFFFFFFF  }
0xb8: {  	_ =	strace $0x90000048  }
0xb9: {  	_ =	sfence  }
0xba: {  	s30 =	sld [smem:$0x0];
	_ =	sdelay $0x2  }
0xbb: {  	s31 =	sshll.u32 s1, $0xD;
	s1 =	sshrl.u32 s1, $0x2  }
0xbc: {  	s3 =	sand.u32 $0x4000, s31;
	s1 =	sadd.s32 s1, s30  }
0xbd: {  	s0 =	sor.u32 s3, s0;
	s1 =	sshll.u32 s1, $0x11  }
0xbe: {  	s0 =	sor.u32 s1, s0  }
0xbf: {  	s0 =	sadd.s32 $0x8F2B, s0  }
0xc0: {  	[sflag:s0] =	ssyncadd.remote.s32 $0x1  }
0xc1: {  	_ =	sfence.sel $0xFFFF  }
0xc2: {  	[dreg:$0x0] =	wrdreg $0xFFFFFFFF;
	(pc) =	sbr.abs _section_cstart, $3  }
0xc3: {  	[dreg:$0x1] =	wrdreg $0xFFFFFFFF  }
0xc4: {  	_ =	task.clear_ibuf [dreg:s7], $0x2FFFF;
	_ =	strace $0x9FFFFFFF  }
0xc5: {  	(tm) =	ssettm $0x7FFFFFFF  }
tec
execute0_lowered:
.L_overlay_start_1:
0x0: {  	(tag) =	ssettag $0x1  }
0x1: {  	s0 =	rddreg [dreg:$0x0]  }
0x2: {  	s1 =	rddreg [dreg:$0x1]  }
0x3: {  	s2 =	rddreg [dreg:$0x2]  }
0x4: {  	s3 =	rddreg [dreg:$0x3]  }
0x5: {  	s9 =	stileid.u32;
	s4 =	rddreg [dreg:$0x4];
	s5 =	simm.s32 $0x0  }
0x6: {  	s8 =	srdreg.scid;
	s16 =	simm.s32 $0x116C0;
	s17 =	simm.s32 $0x3  }
0x7: {  	s18 =	simm.s32 $0x13EC0;
	s19 =	simm.s32 $0x50;
	s20 =	simm.s32 $0x14140  }
0x8: {  	s21 =	simm.s32 $0x1;
	s28 =	simm.s32 $0x0;
	s12 =	smul.u32 $0x2800, s9  }
0x9: {  	[smem:$0x7FF] =	sst s5;
	s7 =	smul.u32 $0x280, s9;
	s11 =	sadd.s32 $0x6800, s0  }
0xa: {  	s22 =	sand.u32 $0x1, s8;
	s24 =	sshll.u32 s9, $0x1;
	s9 =	smul.u32 $0x4E20, s9  }
0xb: {  	_ =	strace $0x80000047;
	s25 =	ssub.s32 $0x2, s22;
	s8 =	sor.u32 s22, s24  }
0xc: {  	s29 =	smul.u32 $0x28000, s22;
	p0 =	sne.s32 s22, $0x0;
	s22 =	simm.s32 $0xA0A0  }
0xd: {  	s24 =	simm.s32 $0xA280;
	s6 =	sshrl.u32 s12, $0x3;
	s23 =	sshrl.u32 s7, $0x3  }
0xe: {  	s13 =	sshrl.u32 s25, $0x1;
	s9 =	sshrl.u32 s9, $0x3;
	s14 =	smul.u32 $0x2710, s8  }
0xf: {  	s7 =	sadd.s32 s7, s3;
	s10 =	sadd.s32 s6, s0;
	s0 =	sadd.s32 s23, s0  }
0x10: {  	s15 =	ssub.s32 s25, s13;
	s26 =	sadd.s32 s11, s9;
	s6 =	sadd.s32 s12, s2  }
.Ltmp0:
0x11: {  	s13 =	sadd.s32 s12, s29;
	s12 =	sadd.s32 s12, s4;
	(pc) =	sbr.rel .LBB2_1-.Ltmp0, $4  }
0x12: {  	s23 =	simm.s32 $0x107C0;
	s25 =	simm.s32 $0x10CC0;
	s8 =	sadd.s32 $0x9C40, s26  }
0x13: {  	s9 =	sadd.s32 $0x1A200, s0;
	s30 =	sshrl.u32 s14, $0x3;
	s10 =	sadd.s32 $0x1800, s10  }
0x14: {  	s31 =	sshrl.u32 s13, $0x3;
	s15 =	smax.u32 s15, $0x1;
	s11 =	sadd.s32 s11, s30  }
0x15: {  	v0 =	vimm.f32 $0.0e+00;
	v1 =	vimm.f32 $1.000000000e+00;
	s26 =	simm.s32 $0x2;
	s14 =	sadd.s32 s1, s31;
	s13 =	sadd.s32 $0x9C40, s11  }
.LBB2_15:
0x16: {  	_ =	swait.ge [sflag:s26], $0x500  }
0x17: {  	[sflag:s26] =	ssyncset.done $0x0  }
0x18: {  	[sflag:s26] =	ssyncadd.s32 $0xFFFFFB00  }
0x19: {  	_ =	swait.ge [sflag:s26], $0x500  }
0x1a: {  	[sflag:s26] =	ssyncset.done $0x0  }
0x1b: {  	[sflag:s26] =	ssyncadd.s32 $0xFFFFFB00  }
0x1c: {  	_ =	swait.ge [sflag:s26], $0x500  }
0x1d: {  	[sflag:s26] =	ssyncset.done $0x0  }
0x1e: {  	[sflag:s26] =	ssyncadd.s32 $0xFFFFFB00  }
0x1f: {  	_ =	swait.ge [sflag:s26], $0x500  }
0x20: {  	[sflag:s26] =	ssyncset.done $0x0  }
0x21: {  	[sflag:s26] =	ssyncadd.s32 $0xFFFFFB00  }
0x22: {  	_ =	swait.ge [sflag:s26], $0x500  }
0x23: {  	[sflag:s26] =	ssyncset.done $0x0  }
0x24: {  	[sflag:s26] =	ssyncadd.s32 $0xFFFFFB00  }
0x25: {  	_ =	swait.ge [sflag:s26], $0x500  }
0x26: {  	[sflag:s26] =	ssyncset.done $0x0  }
0x27: {  	[sflag:s26] =	ssyncadd.s32 $0xFFFFFB00  }
0x28: {  	_ =	swait.ge [sflag:s26], $0x500  }
0x29: {  	[sflag:s26] =	ssyncset.done $0x0  }
0x2a: {  	[sflag:s26] =	ssyncadd.s32 $0xFFFFFB00  }
0x2b: {  	_ =	swait.ge [sflag:s26], $0x500  }
0x2c: {  	[sflag:s26] =	ssyncset.done $0x0  }
0x2d: {  	[sflag:s26] =	ssyncadd.s32 $0xFFFFFB00  }
0x2e: {  	[bflag:$0x0] =	sbarrier.arrive $0xFFFF  }
0x2f: {  	[tilespmem:s16], [sflag:$0x3] =	stream.linear.gather [spmem:s6], $0x2800, $0x38;
	[tilespmem:$0x14190] =	vst v63  }
0x30: {  	s28 =	sadd.s32 $0x1, s28;
	_ =	swait.ge [sflag:s17], $0x2800  }
0x31: {  	p1 =	sne.s32 s28, s15;
	[sflag:s17] =	ssyncset.done $0x0  }
.Ltmp1:
0x32: {  	[sflag:s17] =	ssyncadd.s32 $0xFFFFD800;
	(pc) =	sbr.rel @!p1 .LBB2_16-.Ltmp1, $4  }
0x33: {  	[hbm4b:s14+s5] =	stream.linear.scatter [tilespmem:s16], [sflag:$0x3], $0x2800, $0x38;
	[tilespmem:$0x14190] =	vst v63  }
0x34: {  	_ =	swait.ge [sflag:s17], $0x2800  }
0x35: {  	[sflag:s17] =	ssyncset.done $0x0  }
0x36: {  	[sflag:s17] =	ssyncadd.s32 $0xFFFFD800  }
.LBB2_1:
0x37: {  	s1 =	simm.s32 $0x40;
	s29 =	simm.s32 $0x0  }
.LBB2_2:
0x38: {  	p1 =	sne.s32 s1, $0x9FC0;
	[tilespmem:s29+$0x116C0] =	vst v0;
	s29 =	smov.u32 s1;
	s1 =	sadd.s32 $0x40, s1  }
.Ltmp2:
0x39: {  	(pc) =	sbr.rel @p1 .LBB2_2-.Ltmp2, $2  }
0x3a: {  	_ =	sdelay $0x2  }
0x3b: {  	s29 =	sshra.s32 s29, $0x2  }
0x3c: {  	[tilespmem:s29+$0x116C0] =	vst v0  }
0x3d: {  	[spmem:s6] =	stream.linear.scatter [tilespmem:s16], [sflag:$0x3], $0x2800, $0x38;
	[tilespmem:$0x14190] =	vst v63  }
0x3e: {  	_ =	swait.ge [sflag:s17], $0x2800  }
0x3f: {  	[sflag:s17] =	ssyncset.done $0x0  }
0x40: {  	[sflag:s17] =	ssyncadd.s32 $0xFFFFD800  }
0x41: {  	[tilespmem:$0x13EC0] =	vst v0  }
0x42: {  	[tilespmem:$0x13ED0] =	vst v0  }
0x43: {  	[tilespmem:$0x13EE0] =	vst v0  }
0x44: {  	[tilespmem:$0x13EF0] =	vst v0  }
0x45: {  	[tilespmem:$0x13F00] =	vst v0  }
0x46: {  	[tilespmem:$0x13F10] =	vst v0  }
0x47: {  	[tilespmem:$0x13F20] =	vst v0  }
0x48: {  	[tilespmem:$0x13F30] =	vst v0  }
0x49: {  	[tilespmem:$0x13F40] =	vst v0  }
0x4a: {  	[tilespmem:$0x13F50] =	vst v0  }
0x4b: {  	[tilespmem:$0x13F60] =	vst v0  }
0x4c: {  	[tilespmem:$0x13F70] =	vst v0  }
0x4d: {  	[tilespmem:$0x13F80] =	vst v0  }
0x4e: {  	[tilespmem:$0x13F90] =	vst v0  }
0x4f: {  	[tilespmem:$0x13FA0] =	vst v0  }
0x50: {  	[tilespmem:$0x13FB0] =	vst v0  }
0x51: {  	[tilespmem:$0x13FC0] =	vst v0  }
0x52: {  	[tilespmem:$0x13FD0] =	vst v0  }
0x53: {  	[tilespmem:$0x13FE0] =	vst v0  }
0x54: {  	[tilespmem:$0x13FF0] =	vst v0  }
0x55: {  	[tilespmem:$0x14000] =	vst v0  }
0x56: {  	[tilespmem:$0x14010] =	vst v0  }
0x57: {  	[tilespmem:$0x14020] =	vst v0  }
0x58: {  	[tilespmem:$0x14030] =	vst v0  }
0x59: {  	[tilespmem:$0x14040] =	vst v0  }
0x5a: {  	[tilespmem:$0x14050] =	vst v0  }
0x5b: {  	[tilespmem:$0x14060] =	vst v0  }
0x5c: {  	[tilespmem:$0x14070] =	vst v0  }
0x5d: {  	[tilespmem:$0x14080] =	vst v0  }
0x5e: {  	[tilespmem:$0x14090] =	vst v0  }
0x5f: {  	[tilespmem:$0x140A0] =	vst v0  }
0x60: {  	[tilespmem:$0x140B0] =	vst v0  }
0x61: {  	[tilespmem:$0x140C0] =	vst v0  }
0x62: {  	[tilespmem:$0x140D0] =	vst v0  }
0x63: {  	[tilespmem:$0x140E0] =	vst v0  }
0x64: {  	[tilespmem:$0x140F0] =	vst v0  }
0x65: {  	[tilespmem:$0x14100] =	vst v0  }
0x66: {  	[tilespmem:$0x14110] =	vst v0  }
0x67: {  	[tilespmem:$0x14120] =	vst v0  }
0x68: {  	[tilespmem:$0x14130] =	vst v0  }
0x69: {  	[spmem:s7] =	stream.linear.scatter [tilespmem:s18], [sflag:$0x3], $0x280, $0x38;
	[tilespmem:$0x14190] =	vst v63  }
0x6a: {  	_ =	swait.ge [sflag:s17], $0x280  }
0x6b: {  	[sflag:s17] =	ssyncset.done $0x0  }
0x6c: {  	[sflag:s17] =	ssyncadd.s32 $0xFFFFFD80  }
0x6d: {  	[tilespmem:$0x14140] =	vst v1  }
0x6e: {  	[tilespmem:$0x14150] =	vst v1  }
0x6f: {  	[tilespmem:$0x14160] =	vst v1  }
0x70: {  	[tilespmem:$0x14170] =	vst v1  }
0x71: {  	[tilespmem:$0x14180] =	vst v1  }
0x72: {  	s1 =	simm.s32 $0x0;
	s29 =	simm.s32 $0x5280;
	[bflag:$0x0] =	sbarrier.arrive $0xFFFF  }
0x73: {  	[tilespmem:s29], [sflag:$0x3] =	stream.linear.gather [hbm4b:s8+s1], $0x4E20, $0x38;
	[tilespmem:$0x14190] =	vst v63  }
0x74: {  	_ =	swait.ge [sflag:s17], $0x4E20  }
0x75: {  	p1 =	por $0x1, $0x1;
	[sflag:s17] =	ssyncset.done $0x0  }
0x76: {  	s30 =	simm.s32 @!p1 $0x1;
	[sflag:s17] =	ssyncadd.s32 $0xFFFFB1E0  }
0x77: {  	[spmem:s3] =	stream.indirect.scatter.add.f32 [tilespmem:s20], [sflag:$0x1], $0x1, s29, s19, $0xb8;
	[tilespmem:$0x14190] =	vst v63  }
0x78: {  	_ =	swait.ge @!p1 [sflag:s30], $0x50  }
0x79: {  	s1 =	simm.s32 $0x1;
	[sflag:s30] =	ssyncset.done @!p1 $0x0  }
.LBB2_4:
0x7a: {  	[sflag:s30] =	ssyncadd.s32 @!p1 $0xFFFFFFB0  }
0x7b: {  	s29 =	sadd.s32 $0x50, s29;
	s30 =	smov.u32 s1;
	s1 =	sadd.s32 $0x1, s1  }
0x7c: {  	p2 =	sne.s32 s1, $0xFA  }
0x7d: {  	[spmem:s3] =	stream.indirect.scatter.add.f32 [tilespmem:s20], [sflag:$0x1], $0x1, s29, s19, $0xb8;
	[tilespmem:$0x14190] =	vst v63  }
.Ltmp3:
0x7e: {  	_ = 	snop;
	(pc) =	sbr.rel @p2 .LBB2_4-.Ltmp3, $4  }
0x7f: {  	p1 =	slt.u32 s30, $0xC  }
0x80: {  	s30 =	simm.s32 @!p1 $0x1  }
0x81: {  	_ =	swait.ge @!p1 [sflag:s30], $0x50  }
0x82: {  	[sflag:s30] =	ssyncset.done @!p1 $0x0  }
0x83: {  	[sflag:s30] =	ssyncadd.s32 @!p1 $0xFFFFFFB0  }
0x84: {  	_ =	swait.ge [sflag:s21], $0x50  }
0x85: {  	[sflag:s21] =	ssyncset.done $0x0  }
0x86: {  	[sflag:s21] =	ssyncadd.s32 $0xFFFFFFB0  }
0x87: {  	_ =	swait.ge [sflag:s21], $0x50  }
0x88: {  	[sflag:s21] =	ssyncset.done $0x0  }
0x89: {  	[sflag:s21] =	ssyncadd.s32 $0xFFFFFFB0  }
0x8a: {  	_ =	swait.ge [sflag:s21], $0x50  }
0x8b: {  	[sflag:s21] =	ssyncset.done $0x0  }
0x8c: {  	[sflag:s21] =	ssyncadd.s32 $0xFFFFFFB0  }
0x8d: {  	_ =	swait.ge [sflag:s21], $0x50  }
0x8e: {  	[sflag:s21] =	ssyncset.done $0x0  }
0x8f: {  	[sflag:s21] =	ssyncadd.s32 $0xFFFFFFB0  }
0x90: {  	_ =	swait.ge [sflag:s21], $0x50  }
0x91: {  	[sflag:s21] =	ssyncset.done $0x0  }
0x92: {  	[sflag:s21] =	ssyncadd.s32 $0xFFFFFFB0  }
0x93: {  	_ =	swait.ge [sflag:s21], $0x50  }
0x94: {  	[sflag:s21] =	ssyncset.done $0x0  }
0x95: {  	[sflag:s21] =	ssyncadd.s32 $0xFFFFFFB0  }
0x96: {  	_ =	swait.ge [sflag:s21], $0x50  }
0x97: {  	[sflag:s21] =	ssyncset.done $0x0  }
0x98: {  	[sflag:s21] =	ssyncadd.s32 $0xFFFFFFB0  }
0x99: {  	_ =	swait.ge [sflag:s21], $0x50  }
0x9a: {  	[sflag:s21] =	ssyncset.done $0x0  }
0x9b: {  	[sflag:s21] =	ssyncadd.s32 $0xFFFFFFB0  }
0x9c: {  	_ =	swait.ge [sflag:s21], $0x50  }
0x9d: {  	[sflag:s21] =	ssyncset.done $0x0  }
0x9e: {  	[sflag:s21] =	ssyncadd.s32 $0xFFFFFFB0  }
0x9f: {  	_ =	swait.ge [sflag:s21], $0x50  }
0xa0: {  	[sflag:s21] =	ssyncset.done $0x0  }
0xa1: {  	[sflag:s21] =	ssyncadd.s32 $0xFFFFFFB0  }
0xa2: {  	_ =	swait.ge [sflag:s21], $0x50  }
0xa3: {  	[sflag:s21] =	ssyncset.done $0x0  }
0xa4: {  	[sflag:s21] =	ssyncadd.s32 $0xFFFFFFB0  }
0xa5: {  	_ =	swait.ge [sflag:s21], $0x50  }
0xa6: {  	[sflag:s21] =	ssyncset.done $0x0  }
0xa7: {  	[sflag:s21] =	ssyncadd.s32 $0xFFFFFFB0  }
0xa8: {  	[bflag:$0x0] =	sbarrier.arrive $0xFFFF  }
0xa9: {  	[tilespmem:s18], [sflag:$0x3] =	stream.linear.gather [spmem:s7], $0x280, $0x38;
	[tilespmem:$0x14190] =	vst v63  }
0xaa: {  	_ =	swait.ge [sflag:s17], $0x280  }
0xab: {  	[sflag:s17] =	ssyncset.done $0x0  }
0xac: {  	s29 =	simm.s32 $0x0;
	s30 =	simm.s32 $0x40;
	[sflag:s17] =	ssyncadd.s32 $0xFFFFFD80  }
.LBB2_6:
0xad: {  	p1 =	sne.s32 s30, $0x9C0;
	v2 =	vld [tilespmem:s29+$0x13EC0];
	_ =	sdelay $0x4  }
0xae: {  	v2 =	vadd.f32 $1.000000000e+00, v2;
	_ =	sdelay $0x1  }
0xaf: {  	v3 =	vshra.s32 v2, $0x1;
	v2 =	vmul.f32 $5.000000000e-01, v2  }
0xb0: {  	v3 =	vsub.s32 $0x5F3759DF, v3  }
0xb1: {  	v4 =	vmul.f32 v3, v2;
	_ =	sdelay $0x1  }
0xb2: {  	v4 =	vmul.f32 v3, v4;
	_ =	sdelay $0x1  }
0xb3: {  	v4 =	vsub.f32 $1.500000000e+00, v4;
	_ =	sdelay $0x1  }
0xb4: {  	v3 =	vmul.f32 v3, v4;
	_ =	sdelay $0x1  }
0xb5: {  	v4 =	vmul.f32 v3, v2;
	_ =	sdelay $0x1  }
0xb6: {  	v4 =	vmul.f32 v4, v3;
	_ =	sdelay $0x1  }
0xb7: {  	v4 =	vsub.f32 $1.500000000e+00, v4;
	_ =	sdelay $0x1  }
0xb8: {  	v3 =	vmul.f32 v4, v3;
	_ =	sdelay $0x1  }
0xb9: {  	v2 =	vmul.f32 v3, v2;
	_ =	sdelay $0x1  }
0xba: {  	v2 =	vmul.f32 v2, v3;
	_ =	sdelay $0x1  }
.Ltmp4:
0xbb: {  	v2 =	vsub.f32 $1.500000000e+00, v2;
	(pc) =	sbr.rel @p1 .LBB2_6-.Ltmp4, $3  }
0xbc: {  	_ = 	snop  }
0xbd: {  	v2 =	vmul.f32 v2, v3;
	_ =	sdelay $0x1  }
0xbe: {  	[tilespmem:s29+$0x13EC0] =	vst v2;
	s29 =	sshra.s32 s30, $0x2;
	s30 =	sadd.s32 $0x40, s30  }
0xbf: {  	v2 =	vld [tilespmem:s29+$0x13EC0];
	_ =	sdelay $0x4  }
0xc0: {  	v2 =	vadd.f32 $1.000000000e+00, v2;
	_ =	sdelay $0x1  }
0xc1: {  	v3 =	vshra.s32 v2, $0x1;
	v2 =	vmul.f32 $5.000000000e-01, v2  }
0xc2: {  	v3 =	vsub.s32 $0x5F3759DF, v3  }
0xc3: {  	v4 =	vmul.f32 v3, v2;
	_ =	sdelay $0x1  }
0xc4: {  	v4 =	vmul.f32 v3, v4;
	_ =	sdelay $0x1  }
0xc5: {  	v4 =	vsub.f32 $1.500000000e+00, v4;
	_ =	sdelay $0x1  }
0xc6: {  	v3 =	vmul.f32 v3, v4;
	_ =	sdelay $0x1  }
0xc7: {  	v4 =	vmul.f32 v3, v2;
	_ =	sdelay $0x1  }
0xc8: {  	v4 =	vmul.f32 v4, v3;
	_ =	sdelay $0x1  }
0xc9: {  	v4 =	vsub.f32 $1.500000000e+00, v4;
	_ =	sdelay $0x1  }
0xca: {  	v3 =	vmul.f32 v4, v3;
	_ =	sdelay $0x1  }
0xcb: {  	v2 =	vmul.f32 v3, v2;
	_ =	sdelay $0x1  }
0xcc: {  	v2 =	vmul.f32 v2, v3;
	_ =	sdelay $0x1  }
0xcd: {  	v2 =	vsub.f32 $1.500000000e+00, v2;
	_ =	sdelay $0x1  }
0xce: {  	v2 =	vmul.f32 v2, v3;
	_ =	sdelay $0x1  }
0xcf: {  	s1 =	simm.s32 @!p0 $0x0;
	[tilespmem:s29+$0x13EC0] =	vst v2;
	s29 =	simm.s32 @!p0 $0x13EC0  }
0xd0: {  	[hbm4b:s9+s1] =	stream.linear.scatter @!p0 [tilespmem:s29], [sflag:$0x3], $0x280, $0x38;
	[tilespmem:$0x14190] =	vst v63  }
0xd1: {  	s1 =	simm.s32 @!p0 $0x3  }
0xd2: {  	_ =	swait.ge @!p0 [sflag:s1], $0x280  }
0xd3: {  	s30 =	simm.s32 $0x0;
	[sflag:s1] =	ssyncset.done @!p0 $0x0  }
0xd4: {  	v2 =	vmov s30;
	s29 =	simm.s32 $0x116C0;
	[sflag:s1] =	ssyncadd.s32 @!p0 $0xFFFFFD80  }
0xd5: {  	[tilespmem:s29], [sflag:$0x3] =	stream.linear.gather [hbm4b:s10+s30], $0x2800, $0x38;
	[tilespmem:$0x14190] =	vst v63  }
0xd6: {  	_ =	swait.ge [sflag:s17], $0x2800  }
0xd7: {  	[sflag:s17] =	ssyncset.done $0x0  }
0xd8: {  	[sflag:s17] =	ssyncadd.s32 $0xFFFFD800  }
0xd9: {  	v2 =	vld.idx.msk [tilespmem:v2+s18+$0x0], $0xffff  }
0xda: {  	v4 =	vld [tilespmem:s29+$0x0];
	_ =	sdelay $0x1  }
0xdb: {  	s31 =	simm.s32 $0x1  }
0xdc: {  	v3 =	vmov s31;
	s1 =	simm.s32 $0x2  }
.LBB2_8:
0xdd: {  	p1 =	sne.s32 s1, $0x27F  }
0xde: {  	v2 =	vmul.f32 v4, v2;
	_ =	sdelay $0x1  }
0xdf: {  	[tilespmem:s29+$0x0] =	vst v2  }
.Ltmp5:
0xe0: {  	s29 =	sadd.s32 $0x10, s29;
	v2 =	vld.idx.msk [tilespmem:v3+s18+$0x0], $0xffff;
	(pc) =	sbr.rel @p1 .LBB2_8-.Ltmp5, $2  }
0xe1: {  	v4 =	vld [tilespmem:s29+$0x0];
	_ =	sdelay $0x2  }
0xe2: {  	v3 =	vmov s1;
	s1 =	sadd.s32 $0x1, s1  }
0xe3: {  	_ = 	snop  }
0xe4: {  	v2 =	vmul.f32 v4, v2;
	_ =	sdelay $0x1  }
0xe5: {  	[tilespmem:s29+$0x0] =	vst v2  }
0xe6: {  	s1 =	sadd.s32 $0x10, s29;
	v2 =	vld.idx.msk [tilespmem:v3+s18+$0x0], $0xffff  }
0xe7: {  	v3 =	vld [tilespmem:s1+$0x0];
	_ =	sdelay $0x4  }
0xe8: {  	v2 =	vmul.f32 v3, v2;
	_ =	sdelay $0x1  }
0xe9: {  	[tilespmem:s1+$0x0] =	vst v2  }
0xea: {  	[spmem:s12] =	stream.linear.scatter [tilespmem:s16], [sflag:$0x3], $0x2800, $0x38;
	[tilespmem:$0x14190] =	vst v63  }
0xeb: {  	_ =	swait.ge [sflag:s17], $0x2800  }
0xec: {  	[sflag:s17] =	ssyncset.done $0x0  }
0xed: {  	[sflag:s17] =	ssyncadd.s32 $0xFFFFD800  }
0xee: {  	[bflag:$0x0] =	sbarrier.arrive $0xFFFF  }
0xef: {  	[tilespmem:s22], [sflag:$0x3] =	stream.linear.gather [hbm4b:s11+s5], $0x2710, $0x38;
	[tilespmem:$0x14190] =	vst v63  }
0xf0: {  	_ =	swait.ge [sflag:s17], $0x2710  }
0xf1: {  	[sflag:s17] =	ssyncset.done $0x0  }
0xf2: {  	s29 =	simm.s32 $0xC7B0;
	[sflag:s17] =	ssyncadd.s32 $0xFFFFD8F0  }
0xf3: {  	[tilespmem:s29], [sflag:$0x3] =	stream.linear.gather [hbm4b:s13+s5], $0x2710, $0x38;
	[tilespmem:$0x14190] =	vst v63  }
0xf4: {  	_ =	swait.ge [sflag:s17], $0x2710  }
0xf5: {  	[sflag:s17] =	ssyncset.done $0x0  }
0xf6: {  	s0 =	simm.s32 $0xEEC0;
	[sflag:s17] =	ssyncadd.s32 $0xFFFFD8F0  }
0xf7: {  	[tilespmem:s0], [sflag:$0x1] =	stream.indirect.gather [spmem:s4], $0x10, s22, s19, $0xb8;
	[tilespmem:$0x14190] =	vst v63  }
0xf8: {  	s1 =	simm.s32 $0xF3C0;
	s0 =	simm.s32 $0xA0F0  }
0xf9: {  	[tilespmem:s1], [sflag:$0x1] =	stream.indirect.gather [spmem:s4], $0x10, s0, s19, $0xb8;
	[tilespmem:$0x14190] =	vst v63  }
0xfa: {  	s0 =	simm.s32 $0xA140;
	s1 =	simm.s32 $0xF8C0  }
0xfb: {  	[tilespmem:s1], [sflag:$0x1] =	stream.indirect.gather [spmem:s4], $0x10, s0, s19, $0xb8;
	[tilespmem:$0x14190] =	vst v63  }
0xfc: {  	s0 =	simm.s32 $0xA190;
	s1 =	simm.s32 $0xFDC0  }
0xfd: {  	[tilespmem:s1], [sflag:$0x1] =	stream.indirect.gather [spmem:s4], $0x10, s0, s19, $0xb8;
	[tilespmem:$0x14190] =	vst v63  }
0xfe: {  	s0 =	simm.s32 $0xA1E0;
	s1 =	simm.s32 $0x102C0  }
0xff: {  	[tilespmem:s1], [sflag:$0x1] =	stream.indirect.gather [spmem:s4], $0x10, s0, s19, $0xb8;
	[tilespmem:$0x14190] =	vst v63  }
.Ltmp6:
0x100: {  	_ = 	snop;
	(pc) =	sbr.rel .LBB2_10-.Ltmp6, $4  }
0x101: {  	s1 =	simm.s32 $0xA230  }
0x102: {  	[tilespmem:s23], [sflag:$0x1] =	stream.indirect.gather [spmem:s4], $0x10, s1, s19, $0xb8;
	[tilespmem:$0x14190] =	vst v63  }
0x103: {  	s31 =	simm.s32 $0xFFFFFFFF;
	s30 =	simm.s32 $0xA2D0  }
0x104: {  	[tilespmem:s25], [sflag:$0x1] =	stream.indirect.gather [spmem:s4], $0x10, s24, s19, $0xb8;
	[tilespmem:$0x14190] =	vst v63  }
.LBB2_11:
0x105: {  	_ =	swait.ge [sflag:s26], $0x500  }
0x106: {  	[sflag:s26] =	ssyncset.done $0x0  }
0x107: {  	[sflag:s26] =	ssyncadd.s32 $0xFFFFFB00  }
.LBB2_13:
0x108: {  	s0 =	sadd.s32 $0x8, s31  }
0x109: {  	s0 =	sand.u32 $0x7, s0  }
0x10a: {  	s0 =	smul.u32 $0x1400, s0;
	_ =	sdelay $0x1  }
0x10b: {  	s0 =	sshrl.u32 s0, $0x2  }
0x10c: {  	s0 =	sadd.s32 $0xEEC0, s0  }
0x10d: {  	[tilespmem:s0], [sflag:$0x1] =	stream.indirect.gather [spmem:s4], $0x10, s30, s19, $0xb8;
	[tilespmem:$0x14190] =	vst v63  }
.LBB2_14:
0x10e: {  	p1 =	sne.s32 s1, $0x7C  }
.Ltmp7:
0x10f: {  	_ = 	snop;
	(pc) =	sbr.rel @!p1 .LBB2_15-.Ltmp7, $2  }
0x110: {  	_ =	sdelay $0x2  }
0x111: {  	s30 =	sadd.s32 $0x50, s30;
	s29 =	sadd.s32 $0x50, s29;
	s31 =	smov.u32 s1  }
.LBB2_10:
0x112: {  	s1 =	sadd.s32 $0x1, s31  }
0x113: {  	s0 =	sand.u32 $0x7, s1  }
0x114: {  	p1 =	sgt.u32 s31, $0x74;
	s0 =	smul.u32 $0x1400, s0  }
.Ltmp8:
0x115: {  	_ = 	snop;
	(pc) =	sbr.rel @!p1 .LBB2_11-.Ltmp8, $4  }
0x116: {  	_ =	swait.ge [sflag:s21], $0x500  }
0x117: {  	[sflag:s21] =	ssyncset.done $0x0;
	s0 =	sshrl.u32 s0, $0x2  }
0x118: {  	[sflag:s21] =	ssyncadd.s32 $0xFFFFFB00;
	s0 =	sadd.s32 $0xEEC0, s0  }
0x119: {  	[spmem:s2] =	stream.indirect.scatter.add.f32 [tilespmem:s0], [sflag:$0x2], $0x10, s29, s19, $0xb8;
	[tilespmem:$0x14190] =	vst v63  }
0x11a: {  	p1 =	sgt.u32 s1, $0x75  }
.Ltmp9:
0x11b: {  	_ = 	snop;
	(pc) =	sbr.rel @p1 .LBB2_14-.Ltmp9, $4  }
.Ltmp10:
0x11c: {  	_ = 	snop;
	(pc) =	sbr.rel @!p1 .LBB2_13-.Ltmp10, $4  }
0x11d: {  	_ = 	snop  }
0x11e: {  	_ = 	snop  }
0x11f: {  	_ = 	snop  }
0x120: {  	_ = 	snop  }
.LBB2_16:
0x121: {  	_ =	sfence.sel $0x180000  }
0x122: {  	[bflag:$0x0] =	sbarrier.arrive $0xFFFF  }
0x123: {  	_ =	strace $0x90000047  }
0x124: {  	s0 =	stileid.u32;
	[bflag:$0x2] =	sbarrier.arrive $0xFFFF  }
0x125: {  	p0 =	sne.s32 s0, $0x0;
	s0 =	rddreg [dreg:$0x5]  }
0x126: {  	s0 =	sadd.s32 @!p0 $0x100000, s0  }
0x127: {  	[sflag:s0] =	ssyncadd.tile.s32 @!p0 $0x1;
	_ =	shalt  }
.Lfunc_end2:
_tile_overlayer_lowered:
.L_overlay_start_2:
0x128: {  	(tag) =	ssettag $0x2  }
0x129: {  	s0 =	rddreg [dreg:$0x0];
	s2 =	stileid.u32  }
0x12a: {  	s1 =	rddreg [dreg:$0x1];
	p0 =	sne.s32 s2, $0x0  }
0x12b: {  	s3 =	rddreg [dreg:$0x2];
	[bflag:$0x3] =	sbarrier.arrive $0xFFFF;
	s2 =	simm.s32 @!p0 $0x1C03  }
0x12c: {  	[timem:s3], [sflag:s2] =	dma.local @!p0 [hbm:s0], s1  }
0x12d: {  	s0 =	simm.s32 @!p0 $0x3  }
0x12e: {  	_ =	swait.ge @!p0 [sflag:s0], s1  }
0x12f: {  	s1 =	ssub.s32 @!p0 $0x0, s1;
	[sflag:s0] =	ssyncset.done @!p0 $0x0  }
0x130: {  	[sflag:s0] =	ssyncadd.s32 @!p0 s1  }
0x131: {  	[bflag:$0x3] =	sbarrier.arrive $0xFFFF  }
0x132: {  	_ =	shalt  }

</sc_bundles>
